<compile_context>
chip_gen: v7x
topology: tpu7x:2x2x1
jax: 0.10.2.dev20260603
libtpu: 0.0.44.dev20260713+nightly
codegen_flags: <defaults>
</compile_context>

<pallas_src>
import functools

import jax
import jax.numpy as jnp
from jax import lax
from jax.experimental import pallas as pl
from jax.experimental.pallas import tpu as pltpu
from jax.experimental.pallas import tpu_sc as plsc

BATCH = 4096
CTX = 50
EMBED_DIM = 64
OUTPUT_DIM = 1000
VOCAB = 1000000

HALF = 1 << 19

NUM_CORES = 2
NUM_SUBCORES = 16
NUM_WORKERS = NUM_CORES * NUM_SUBCORES
ROWS_PER_WORKER = BATCH // NUM_WORKERS
NLANE = 16
DREG = EMBED_DIM // NLANE
NBUF = 8


_T_BLK = 4096


def _transpose_body(a_ref, b_ref, o_ref):
    o_ref[:, 0:EMBED_DIM] = a_ref[...].T
    o_ref[:, EMBED_DIM : 2 * EMBED_DIM] = b_ref[...].T


def _relayout_table(table_t):
    nb = HALF // _T_BLK
    return pl.pallas_call(
        _transpose_body,
        grid=(nb,),
        in_specs=[
            pl.BlockSpec((EMBED_DIM, _T_BLK), lambda i: (0, i)),
            pl.BlockSpec(
                (EMBED_DIM, _T_BLK),
                lambda i: (0, jnp.minimum(i + HALF // _T_BLK,
                                          pl.cdiv(VOCAB, _T_BLK) - 1)),
            ),
        ],
        out_specs=pl.BlockSpec((_T_BLK, 2 * EMBED_DIM), lambda i: (i, 0)),
        out_shape=jax.ShapeDtypeStruct((HALF, 2 * EMBED_DIM), jnp.float32),
    )(table_t, table_t)




def _sc_pool(idx_hbm, table_hbm, out_hbm, idx_v, acc_v, *bufs_and_sems):
    bufs = bufs_and_sems[:NBUF]
    sems = bufs_and_sems[NBUF:]
    wid = lax.axis_index("s") * NUM_CORES + lax.axis_index("c")
    base = wid * ROWS_PER_WORKER

    pltpu.sync_copy(idx_hbm.at[pl.ds(base, ROWS_PER_WORKER)], idx_v)

    for b in range(NBUF):
        pltpu.async_copy(table_hbm.at[idx_v.at[b]], bufs[b], sems[b])

    def accumulate(buf, r):
        def body(j, accs):
            return tuple(
                accs[d]
                + buf[2 * j, pl.ds(d * NLANE, NLANE)]
                + buf[2 * j + 1, pl.ds(d * NLANE, NLANE)]
                for d in range(DREG)
            )

        zeros = tuple(jnp.zeros((NLANE,), jnp.float32) for _ in range(DREG))
        accs = lax.fori_loop(0, CTX // 2, body, zeros)
        for d in range(DREG):
            acc_v[r, pl.ds(d * NLANE, NLANE)] = accs[d]

    def group(go, carry):
        for b in range(NBUF):
            r = go * NBUF + b
            pltpu.make_async_copy(
                table_hbm.at[idx_v.at[r]], bufs[b], sems[b]
            ).wait()
            accumulate(bufs[b], r)

            @pl.when(r + NBUF < ROWS_PER_WORKER)
            def _():
                pltpu.async_copy(
                    table_hbm.at[idx_v.at[r + NBUF]], bufs[b], sems[b]
                )

        return carry

    lax.fori_loop(0, ROWS_PER_WORKER // NBUF, group, 0)

    pltpu.sync_copy(acc_v, out_hbm.at[pl.ds(base, ROWS_PER_WORKER)])


def _pool_embeddings(gidx, table):
    mesh = plsc.VectorSubcoreMesh(core_axis_name="c", subcore_axis_name="s")
    kern = functools.partial(
        pl.kernel,
        mesh=mesh,
        out_type=jax.ShapeDtypeStruct((BATCH, EMBED_DIM), jnp.float32),
        scratch_types=(
            [
                pltpu.VMEM((ROWS_PER_WORKER, CTX), jnp.int32),
                pltpu.VMEM((ROWS_PER_WORKER, EMBED_DIM), jnp.float32),
            ]
            + [pltpu.VMEM((CTX, EMBED_DIM), jnp.float32)] * NBUF
            + [pltpu.SemaphoreType.DMA] * NBUF
        ),
        compiler_params=pltpu.CompilerParams(use_tc_tiling_on_sc=False),
    )(_sc_pool)
    return kern(gidx, table)



_M_BLK = 512


def _matmul_body(wt_ref, x_ref, bvec_ref, o_ref):
    acc = lax.dot_general(
        wt_ref[...], x_ref[...],
        dimension_numbers=(((0,), (1,)), ((), ())),
        preferred_element_type=jnp.float32,
    )
    o_ref[...] = acc + bvec_ref[...]


def _linear_t(w_t, x, bvec2d):
    grid = (BATCH // _M_BLK,)
    return pl.pallas_call(
        _matmul_body,
        grid=grid,
        in_specs=[
            pl.BlockSpec((EMBED_DIM, OUTPUT_DIM), lambda i: (0, 0)),
            pl.BlockSpec((_M_BLK, EMBED_DIM), lambda i: (i, 0)),
            pl.BlockSpec((OUTPUT_DIM, 1), lambda i: (0, 0)),
        ],
        out_specs=pl.BlockSpec((OUTPUT_DIM, _M_BLK), lambda i: (0, i)),
        out_shape=jax.ShapeDtypeStruct((OUTPUT_DIM, BATCH), jnp.float32),
    )(w_t, x, bvec2d)


def kernel(inputs, embed_table, W, b, bias):
    idx = inputs.astype(jnp.int32)
    gidx = 2 * jnp.bitwise_and(idx, HALF - 1) + (idx >= HALF).astype(jnp.int32)
    table_pk = _relayout_table(jnp.transpose(embed_table))
    table_rows = table_pk.reshape(2 * HALF, EMBED_DIM)
    pooled = _pool_embeddings(gidx, table_rows)
    w_t = jnp.transpose(W)
    bvec2d = (b + bias).astype(jnp.float32).reshape(OUTPUT_DIM, 1)
    logits_t = _linear_t(w_t, pooled, bvec2d)
    return jnp.transpose(logits_t)

# --- scband reference (transcript-rebuilt; emitter-appended) ---
"""Pipeline reference for scband-cbow-78451872629453 (READ-ONLY COPY).

The authoritative reference and input builder live on the scoring server;
editing this copy changes nothing except your own understanding.
"""

import jax, jax.numpy as jnp
import numpy as np

VOCAB_SIZE = 1000000
EMBED_DIM = 64
OUTPUT_DIM = 1000
BATCH = 4096
CTX = 50


def setup_inputs(seed: int = 0) -> dict:
    key = jax.random.key(seed)
    k1, k2, k3, k4 = jax.random.split(key, 4)
    inputs = jax.random.randint(k1, (BATCH, CTX), 0, VOCAB_SIZE, dtype=jnp.int64 if jax.config.jax_enable_x64 else jnp.int32)
    embed_table = jax.random.normal(k2, (VOCAB_SIZE, EMBED_DIM), dtype=jnp.float32) * 0.02
    # nn.Linear(embedding_dim, output_dim): weight [out, in], bias [out]
    W = jax.random.normal(k3, (OUTPUT_DIM, EMBED_DIM), dtype=jnp.float32) * (1.0 / np.sqrt(EMBED_DIM))
    b = jax.random.normal(k4, (OUTPUT_DIM,), dtype=jnp.float32) * (1.0 / np.sqrt(EMBED_DIM))
    bias = jnp.zeros((OUTPUT_DIM,), dtype=jnp.float32)
    return {"inputs": inputs, "embed_table": embed_table, "W": W, "b": b, "bias": bias}


def reference(inputs, embed_table, W, b, bias):
    # embeds = self.embed(inputs)  -> gather rows from table
    embeds = jnp.take(embed_table, inputs, axis=0)  # [B, CTX, D]
    # x = embeds.sum(1)
    x = embeds.sum(axis=1)  # [B, D]
    # logits = self.linear(x) + self.bias
    logits = x @ W.T + b + bias  # [B, OUTPUT_DIM]
    return logits

if __name__ == "__main__":
    import jax
    _d = setup_inputs()
    print(jax.jit(kernel)(*tuple(_d.values())))

</pallas_src>

<mosaic_0001>
#map = affine_map<(d0, d1) -> (0, 0)>
module attributes {stable_mosaic.version = 14 : i64} {
  func.func @_sc_pool(%arg0: i32, %arg1: i32, %arg2: memref<4096x50xi32, #tpu.memory_space<hbm>>, %arg3: memref<1048576x64xf32, #tpu.memory_space<hbm>>, %arg4: memref<4096x64xf32, #tpu.memory_space<hbm>>, %arg5: memref<128x50xi32, #tpu.memory_space<vmem>>, %arg6: memref<128x64xf32, #tpu.memory_space<vmem>>, %arg7: memref<50x64xf32, #tpu.memory_space<vmem>>, %arg8: memref<50x64xf32, #tpu.memory_space<vmem>>, %arg9: memref<50x64xf32, #tpu.memory_space<vmem>>, %arg10: memref<50x64xf32, #tpu.memory_space<vmem>>, %arg11: memref<50x64xf32, #tpu.memory_space<vmem>>, %arg12: memref<50x64xf32, #tpu.memory_space<vmem>>, %arg13: memref<50x64xf32, #tpu.memory_space<vmem>>, %arg14: memref<50x64xf32, #tpu.memory_space<vmem>>, %arg15: memref<!tpu.dma_semaphore, #tpu.memory_space<semaphore_mem>>, %arg16: memref<!tpu.dma_semaphore, #tpu.memory_space<semaphore_mem>>, %arg17: memref<!tpu.dma_semaphore, #tpu.memory_space<semaphore_mem>>, %arg18: memref<!tpu.dma_semaphore, #tpu.memory_space<semaphore_mem>>, %arg19: memref<!tpu.dma_semaphore, #tpu.memory_space<semaphore_mem>>, %arg20: memref<!tpu.dma_semaphore, #tpu.memory_space<semaphore_mem>>, %arg21: memref<!tpu.dma_semaphore, #tpu.memory_space<semaphore_mem>>, %arg22: memref<!tpu.dma_semaphore, #tpu.memory_space<semaphore_mem>>) attributes {dimension_semantics = [#tpu.dimension_semantics<core_parallel>, #tpu.dimension_semantics<subcore_parallel>], iteration_bounds = array<i64: 2, 16>, scalar_prefetch = 0 : i64, scratch_operands = 18 : i64, tpu.core_type = #tpu.core_type<sc_vector_subcore>, window_params = [{transform_indices = #map}, {transform_indices = #map}, {transform_indices = #map}]} {
    %mul3A = arith.constant 2 : i32
    %mul3A_0 = arith.muli %arg1, %mul3A : i32
    %add3A = arith.addi %mul3A_0, %arg0 : i32
    %mul3A_1 = arith.constant 128 : i32
    %mul3A_2 = arith.muli %add3A, %mul3A_1 : i32
    "tpu.region"() ({
      %run_scoped3A = tpu.sem_alloc : memref<!tpu.dma_semaphore, #tpu.memory_space<semaphore_mem>>
      %dma_start3A_63 = arith.constant 0 : i32
      %dma_start3A_64 = tpu.memref_slice %arg2[%mul3A_2, %dma_start3A_63] : memref<4096x50xi32, #tpu.memory_space<hbm>> -> memref<128x50xi32, #tpu.memory_space<hbm>>
      %dma_start3A_65 = arith.constant 0 : i32
      %dma_start3A_66 = tpu.memref_slice %arg2[%mul3A_2, %dma_start3A_65] : memref<4096x50xi32, #tpu.memory_space<hbm>> -> memref<128x50xi32, #tpu.memory_space<hbm>>
      tpu.enqueue_dma source(%dma_start3A_66 : memref<128x50xi32, #tpu.memory_space<hbm>>) target(%arg5 : memref<128x50xi32, #tpu.memory_space<vmem>>) target_semaphore(%run_scoped3A : memref<!tpu.dma_semaphore, #tpu.memory_space<semaphore_mem>>)
      %dma_wait3A = arith.constant 0 : i32
      %dma_wait3A_67 = tpu.memref_slice %arg2[%mul3A_2, %dma_wait3A] : memref<4096x50xi32, #tpu.memory_space<hbm>> -> memref<128x50xi32, #tpu.memory_space<hbm>>
      %dma_wait3A_68 = arith.constant 0 : i32
      %dma_wait3A_69 = tpu.memref_slice %arg2[%mul3A_2, %dma_wait3A_68] : memref<4096x50xi32, #tpu.memory_space<hbm>> -> memref<128x50xi32, #tpu.memory_space<hbm>>
      tpu.wait_dma2 semaphore(%run_scoped3A : memref<!tpu.dma_semaphore, #tpu.memory_space<semaphore_mem>>) src(%dma_wait3A_69 : memref<128x50xi32, #tpu.memory_space<hbm>>) dst(%arg5 : memref<128x50xi32, #tpu.memory_space<vmem>>)
      tpu.yield
    }) : () -> ()
    %dma_start3A = arith.constant 0 : i32
    %dma_start3A_3 = arith.constant 0 : i32
    %dma_start3A_4 = tpu.memref_slice %arg5[%dma_start3A, %dma_start3A_3] : memref<128x50xi32, #tpu.memory_space<vmem>> -> memref<1x50xi32, #tpu.memory_space<vmem>>
    %dma_start3A_5 = tpu.memref_squeeze %dma_start3A_4 : memref<1x50xi32, #tpu.memory_space<vmem>> -> memref<50xi32, #tpu.memory_space<vmem>>
    %dma_start3A_6 = arith.constant 0 : i32
    %dma_start3A_7 = arith.constant 0 : i32
    %dma_start3A_8 = tpu.memref_slice %arg3[%dma_start3A_6, %dma_start3A_7] : memref<1048576x64xf32, #tpu.memory_space<hbm>> -> memref<1048576x64xf32, #tpu.memory_space<hbm>>
    tpu.enqueue_indirect_dma source(%dma_start3A_8 : memref<1048576x64xf32, #tpu.memory_space<hbm>>) target(%arg7 : memref<50x64xf32, #tpu.memory_space<vmem>>) offsets(%dma_start3A_5 : memref<50xi32, #tpu.memory_space<vmem>>) semaphore(%arg15 : memref<!tpu.dma_semaphore, #tpu.memory_space<semaphore_mem>>)
    %dma_start3A_9 = arith.constant 1 : i32
    %dma_start3A_10 = arith.constant 0 : i32
    %dma_start3A_11 = tpu.memref_slice %arg5[%dma_start3A_9, %dma_start3A_10] : memref<128x50xi32, #tpu.memory_space<vmem>> -> memref<1x50xi32, #tpu.memory_space<vmem>>
    %dma_start3A_12 = tpu.memref_squeeze %dma_start3A_11 : memref<1x50xi32, #tpu.memory_space<vmem>> -> memref<50xi32, #tpu.memory_space<vmem>>
    %dma_start3A_13 = arith.constant 0 : i32
    %dma_start3A_14 = arith.constant 0 : i32
    %dma_start3A_15 = tpu.memref_slice %arg3[%dma_start3A_13, %dma_start3A_14] : memref<1048576x64xf32, #tpu.memory_space<hbm>> -> memref<1048576x64xf32, #tpu.memory_space<hbm>>
    tpu.enqueue_indirect_dma source(%dma_start3A_15 : memref<1048576x64xf32, #tpu.memory_space<hbm>>) target(%arg8 : memref<50x64xf32, #tpu.memory_space<vmem>>) offsets(%dma_start3A_12 : memref<50xi32, #tpu.memory_space<vmem>>) semaphore(%arg16 : memref<!tpu.dma_semaphore, #tpu.memory_space<semaphore_mem>>)
    %dma_start3A_16 = arith.constant 2 : i32
    %dma_start3A_17 = arith.constant 0 : i32
    %dma_start3A_18 = tpu.memref_slice %arg5[%dma_start3A_16, %dma_start3A_17] : memref<128x50xi32, #tpu.memory_space<vmem>> -> memref<1x50xi32, #tpu.memory_space<vmem>>
    %dma_start3A_19 = tpu.memref_squeeze %dma_start3A_18 : memref<1x50xi32, #tpu.memory_space<vmem>> -> memref<50xi32, #tpu.memory_space<vmem>>
    %dma_start3A_20 = arith.constant 0 : i32
    %dma_start3A_21 = arith.constant 0 : i32
    %dma_start3A_22 = tpu.memref_slice %arg3[%dma_start3A_20, %dma_start3A_21] : memref<1048576x64xf32, #tpu.memory_space<hbm>> -> memref<1048576x64xf32, #tpu.memory_space<hbm>>
    tpu.enqueue_indirect_dma source(%dma_start3A_22 : memref<1048576x64xf32, #tpu.memory_space<hbm>>) target(%arg9 : memref<50x64xf32, #tpu.memory_space<vmem>>) offsets(%dma_start3A_19 : memref<50xi32, #tpu.memory_space<vmem>>) semaphore(%arg17 : memref<!tpu.dma_semaphore, #tpu.memory_space<semaphore_mem>>)
    %dma_start3A_23 = arith.constant 3 : i32
    %dma_start3A_24 = arith.constant 0 : i32
    %dma_start3A_25 = tpu.memref_slice %arg5[%dma_start3A_23, %dma_start3A_24] : memref<128x50xi32, #tpu.memory_space<vmem>> -> memref<1x50xi32, #tpu.memory_space<vmem>>
    %dma_start3A_26 = tpu.memref_squeeze %dma_start3A_25 : memref<1x50xi32, #tpu.memory_space<vmem>> -> memref<50xi32, #tpu.memory_space<vmem>>
    %dma_start3A_27 = arith.constant 0 : i32
    %dma_start3A_28 = arith.constant 0 : i32
    %dma_start3A_29 = tpu.memref_slice %arg3[%dma_start3A_27, %dma_start3A_28] : memref<1048576x64xf32, #tpu.memory_space<hbm>> -> memref<1048576x64xf32, #tpu.memory_space<hbm>>
    tpu.enqueue_indirect_dma source(%dma_start3A_29 : memref<1048576x64xf32, #tpu.memory_space<hbm>>) target(%arg10 : memref<50x64xf32, #tpu.memory_space<vmem>>) offsets(%dma_start3A_26 : memref<50xi32, #tpu.memory_space<vmem>>) semaphore(%arg18 : memref<!tpu.dma_semaphore, #tpu.memory_space<semaphore_mem>>)
    %dma_start3A_30 = arith.constant 4 : i32
    %dma_start3A_31 = arith.constant 0 : i32
    %dma_start3A_32 = tpu.memref_slice %arg5[%dma_start3A_30, %dma_start3A_31] : memref<128x50xi32, #tpu.memory_space<vmem>> -> memref<1x50xi32, #tpu.memory_space<vmem>>
    %dma_start3A_33 = tpu.memref_squeeze %dma_start3A_32 : memref<1x50xi32, #tpu.memory_space<vmem>> -> memref<50xi32, #tpu.memory_space<vmem>>
    %dma_start3A_34 = arith.constant 0 : i32
    %dma_start3A_35 = arith.constant 0 : i32
    %dma_start3A_36 = tpu.memref_slice %arg3[%dma_start3A_34, %dma_start3A_35] : memref<1048576x64xf32, #tpu.memory_space<hbm>> -> memref<1048576x64xf32, #tpu.memory_space<hbm>>
    tpu.enqueue_indirect_dma source(%dma_start3A_36 : memref<1048576x64xf32, #tpu.memory_space<hbm>>) target(%arg11 : memref<50x64xf32, #tpu.memory_space<vmem>>) offsets(%dma_start3A_33 : memref<50xi32, #tpu.memory_space<vmem>>) semaphore(%arg19 : memref<!tpu.dma_semaphore, #tpu.memory_space<semaphore_mem>>)
    %dma_start3A_37 = arith.constant 5 : i32
    %dma_start3A_38 = arith.constant 0 : i32
    %dma_start3A_39 = tpu.memref_slice %arg5[%dma_start3A_37, %dma_start3A_38] : memref<128x50xi32, #tpu.memory_space<vmem>> -> memref<1x50xi32, #tpu.memory_space<vmem>>
    %dma_start3A_40 = tpu.memref_squeeze %dma_start3A_39 : memref<1x50xi32, #tpu.memory_space<vmem>> -> memref<50xi32, #tpu.memory_space<vmem>>
    %dma_start3A_41 = arith.constant 0 : i32
    %dma_start3A_42 = arith.constant 0 : i32
    %dma_start3A_43 = tpu.memref_slice %arg3[%dma_start3A_41, %dma_start3A_42] : memref<1048576x64xf32, #tpu.memory_space<hbm>> -> memref<1048576x64xf32, #tpu.memory_space<hbm>>
    tpu.enqueue_indirect_dma source(%dma_start3A_43 : memref<1048576x64xf32, #tpu.memory_space<hbm>>) target(%arg12 : memref<50x64xf32, #tpu.memory_space<vmem>>) offsets(%dma_start3A_40 : memref<50xi32, #tpu.memory_space<vmem>>) semaphore(%arg20 : memref<!tpu.dma_semaphore, #tpu.memory_space<semaphore_mem>>)
    %dma_start3A_44 = arith.constant 6 : i32
    %dma_start3A_45 = arith.constant 0 : i32
    %dma_start3A_46 = tpu.memref_slice %arg5[%dma_start3A_44, %dma_start3A_45] : memref<128x50xi32, #tpu.memory_space<vmem>> -> memref<1x50xi32, #tpu.memory_space<vmem>>
    %dma_start3A_47 = tpu.memref_squeeze %dma_start3A_46 : memref<1x50xi32, #tpu.memory_space<vmem>> -> memref<50xi32, #tpu.memory_space<vmem>>
    %dma_start3A_48 = arith.constant 0 : i32
    %dma_start3A_49 = arith.constant 0 : i32
    %dma_start3A_50 = tpu.memref_slice %arg3[%dma_start3A_48, %dma_start3A_49] : memref<1048576x64xf32, #tpu.memory_space<hbm>> -> memref<1048576x64xf32, #tpu.memory_space<hbm>>
    tpu.enqueue_indirect_dma source(%dma_start3A_50 : memref<1048576x64xf32, #tpu.memory_space<hbm>>) target(%arg13 : memref<50x64xf32, #tpu.memory_space<vmem>>) offsets(%dma_start3A_47 : memref<50xi32, #tpu.memory_space<vmem>>) semaphore(%arg21 : memref<!tpu.dma_semaphore, #tpu.memory_space<semaphore_mem>>)
    %dma_start3A_51 = arith.constant 7 : i32
    %dma_start3A_52 = arith.constant 0 : i32
    %dma_start3A_53 = tpu.memref_slice %arg5[%dma_start3A_51, %dma_start3A_52] : memref<128x50xi32, #tpu.memory_space<vmem>> -> memref<1x50xi32, #tpu.memory_space<vmem>>
    %dma_start3A_54 = tpu.memref_squeeze %dma_start3A_53 : memref<1x50xi32, #tpu.memory_space<vmem>> -> memref<50xi32, #tpu.memory_space<vmem>>
    %dma_start3A_55 = arith.constant 0 : i32
    %dma_start3A_56 = arith.constant 0 : i32
    %dma_start3A_57 = tpu.memref_slice %arg3[%dma_start3A_55, %dma_start3A_56] : memref<1048576x64xf32, #tpu.memory_space<hbm>> -> memref<1048576x64xf32, #tpu.memory_space<hbm>>
    tpu.enqueue_indirect_dma source(%dma_start3A_57 : memref<1048576x64xf32, #tpu.memory_space<hbm>>) target(%arg14 : memref<50x64xf32, #tpu.memory_space<vmem>>) offsets(%dma_start3A_54 : memref<50xi32, #tpu.memory_space<vmem>>) semaphore(%arg22 : memref<!tpu.dma_semaphore, #tpu.memory_space<semaphore_mem>>)
    %scan3A = arith.constant 0 : i32
    %scan3A_58 = arith.constant 0 : i32
    %scan3A_59 = arith.constant 16 : i32
    %scan3A_60 = arith.addi %scan3A_58, %scan3A_59 : i32
    %scan3A_61 = arith.constant 1 : i32
    scf.for %scan3A_63 = %scan3A_58 to %scan3A_60 step %scan3A_61  : i32 {
      %mul3A_64 = arith.constant 8 : i32
      %mul3A_65 = arith.muli %scan3A_63, %mul3A_64 : i32
      %add3A_66 = arith.constant 0 : i32
      %add3A_67 = arith.addi %mul3A_65, %add3A_66 : i32
      %dma_wait3A = arith.constant 0 : i32
      %dma_wait3A_68 = tpu.memref_slice %arg5[%add3A_67, %dma_wait3A] : memref<128x50xi32, #tpu.memory_space<vmem>> -> memref<1x50xi32, #tpu.memory_space<vmem>>
      %dma_wait3A_69 = tpu.memref_squeeze %dma_wait3A_68 : memref<1x50xi32, #tpu.memory_space<vmem>> -> memref<50xi32, #tpu.memory_space<vmem>>
      %dma_wait3A_70 = arith.constant 0 : i32
      %dma_wait3A_71 = arith.constant 0 : i32
      %dma_wait3A_72 = tpu.memref_slice %arg3[%dma_wait3A_70, %dma_wait3A_71] : memref<1048576x64xf32, #tpu.memory_space<hbm>> -> memref<1048576x64xf32, #tpu.memory_space<hbm>>
      tpu.wait_indirect_dma semaphore(%arg15 : memref<!tpu.dma_semaphore, #tpu.memory_space<semaphore_mem>>) src(%dma_wait3A_72 : memref<1048576x64xf32, #tpu.memory_space<hbm>>) dst(%arg7 : memref<50x64xf32, #tpu.memory_space<vmem>>)
      %broadcast_in_dim3A = arith.constant 0.000000e+00 : f32
      %broadcast_in_dim3A_73 = vector.broadcast %broadcast_in_dim3A : f32 to vector<16xf32>
      %broadcast_in_dim3A_74 = arith.constant 0.000000e+00 : f32
      %broadcast_in_dim3A_75 = vector.broadcast %broadcast_in_dim3A_74 : f32 to vector<16xf32>
      %broadcast_in_dim3A_76 = arith.constant 0.000000e+00 : f32
      %broadcast_in_dim3A_77 = vector.broadcast %broadcast_in_dim3A_76 : f32 to vector<16xf32>
      %broadcast_in_dim3A_78 = arith.constant 0.000000e+00 : f32
      %broadcast_in_dim3A_79 = vector.broadcast %broadcast_in_dim3A_78 : f32 to vector<16xf32>
      %scan3A_80 = arith.constant 0 : i32
      %scan3A_81 = arith.constant 25 : i32
      %scan3A_82 = arith.addi %scan3A_80, %scan3A_81 : i32
      %scan3A_83 = arith.constant 1 : i32
      %scan3A_84:4 = scf.for %scan3A_466 = %scan3A_80 to %scan3A_82 step %scan3A_83 iter_args(%scan3A_467 = %broadcast_in_dim3A_73, %scan3A_468 = %broadcast_in_dim3A_75, %scan3A_469 = %broadcast_in_dim3A_77, %scan3A_470 = %broadcast_in_dim3A_79) -> (vector<16xf32>, vector<16xf32>, vector<16xf32>, vector<16xf32>)  : i32 {
        %mul3A_471 = arith.constant 2 : i32
        %mul3A_472 = arith.muli %mul3A_471, %scan3A_466 : i32
        %get3A = arith.index_cast %mul3A_472 : i32 to index
        %get3A_473 = arith.constant 0 : index
        %get3A_474 = tpu.vector_load %arg7[%get3A, %get3A_473] {strides = array<i32>} : memref<50x64xf32, #tpu.memory_space<vmem>>, vector<1x16xf32>,
        %get3A_475 = vector.shape_cast %get3A_474 : vector<1x16xf32> to vector<16xf32>
        %add3A_476 = arith.addf %scan3A_467, %get3A_475 : vector<16xf32>
        %mul3A_477 = arith.constant 2 : i32
        %mul3A_478 = arith.muli %mul3A_477, %scan3A_466 : i32
        %add3A_479 = arith.constant 1 : i32
        %add3A_480 = arith.addi %mul3A_478, %add3A_479 : i32
        %get3A_481 = arith.index_cast %add3A_480 : i32 to index
        %get3A_482 = arith.constant 0 : index
        %get3A_483 = tpu.vector_load %arg7[%get3A_481, %get3A_482] {strides = array<i32>} : memref<50x64xf32, #tpu.memory_space<vmem>>, vector<1x16xf32>,
        %get3A_484 = vector.shape_cast %get3A_483 : vector<1x16xf32> to vector<16xf32>
        %add3A_485 = arith.addf %add3A_476, %get3A_484 : vector<16xf32>
        %mul3A_486 = arith.constant 2 : i32
        %mul3A_487 = arith.muli %mul3A_486, %scan3A_466 : i32
        %get3A_488 = arith.index_cast %mul3A_487 : i32 to index
        %get3A_489 = arith.constant 16 : index
        %get3A_490 = tpu.vector_load %arg7[%get3A_488, %get3A_489] {strides = array<i32>} : memref<50x64xf32, #tpu.memory_space<vmem>>, vector<1x16xf32>,
        %get3A_491 = vector.shape_cast %get3A_490 : vector<1x16xf32> to vector<16xf32>
        %add3A_492 = arith.addf %scan3A_468, %get3A_491 : vector<16xf32>
        %mul3A_493 = arith.constant 2 : i32
        %mul3A_494 = arith.muli %mul3A_493, %scan3A_466 : i32
        %add3A_495 = arith.constant 1 : i32
        %add3A_496 = arith.addi %mul3A_494, %add3A_495 : i32
        %get3A_497 = arith.index_cast %add3A_496 : i32 to index
        %get3A_498 = arith.constant 16 : index
        %get3A_499 = tpu.vector_load %arg7[%get3A_497, %get3A_498] {strides = array<i32>} : memref<50x64xf32, #tpu.memory_space<vmem>>, vector<1x16xf32>,
        %get3A_500 = vector.shape_cast %get3A_499 : vector<1x16xf32> to vector<16xf32>
        %add3A_501 = arith.addf %add3A_492, %get3A_500 : vector<16xf32>
        %mul3A_502 = arith.constant 2 : i32
        %mul3A_503 = arith.muli %mul3A_502, %scan3A_466 : i32
        %get3A_504 = arith.index_cast %mul3A_503 : i32 to index
        %get3A_505 = arith.constant 32 : index
        %get3A_506 = tpu.vector_load %arg7[%get3A_504, %get3A_505] {strides = array<i32>} : memref<50x64xf32, #tpu.memory_space<vmem>>, vector<1x16xf32>,
        %get3A_507 = vector.shape_cast %get3A_506 : vector<1x16xf32> to vector<16xf32>
        %add3A_508 = arith.addf %scan3A_469, %get3A_507 : vector<16xf32>
        %mul3A_509 = arith.constant 2 : i32
        %mul3A_510 = arith.muli %mul3A_509, %scan3A_466 : i32
        %add3A_511 = arith.constant 1 : i32
        %add3A_512 = arith.addi %mul3A_510, %add3A_511 : i32
        %get3A_513 = arith.index_cast %add3A_512 : i32 to index
        %get3A_514 = arith.constant 32 : index
        %get3A_515 = tpu.vector_load %arg7[%get3A_513, %get3A_514] {strides = array<i32>} : memref<50x64xf32, #tpu.memory_space<vmem>>, vector<1x16xf32>,
        %get3A_516 = vector.shape_cast %get3A_515 : vector<1x16xf32> to vector<16xf32>
        %add3A_517 = arith.addf %add3A_508, %get3A_516 : vector<16xf32>
        %mul3A_518 = arith.constant 2 : i32
        %mul3A_519 = arith.muli %mul3A_518, %scan3A_466 : i32
        %get3A_520 = arith.index_cast %mul3A_519 : i32 to index
        %get3A_521 = arith.constant 48 : index
        %get3A_522 = tpu.vector_load %arg7[%get3A_520, %get3A_521] {strides = array<i32>} : memref<50x64xf32, #tpu.memory_space<vmem>>, vector<1x16xf32>,
        %get3A_523 = vector.shape_cast %get3A_522 : vector<1x16xf32> to vector<16xf32>
        %add3A_524 = arith.addf %scan3A_470, %get3A_523 : vector<16xf32>
        %mul3A_525 = arith.constant 2 : i32
        %mul3A_526 = arith.muli %mul3A_525, %scan3A_466 : i32
        %add3A_527 = arith.constant 1 : i32
        %add3A_528 = arith.addi %mul3A_526, %add3A_527 : i32
        %get3A_529 = arith.index_cast %add3A_528 : i32 to index
        %get3A_530 = arith.constant 48 : index
        %get3A_531 = tpu.vector_load %arg7[%get3A_529, %get3A_530] {strides = array<i32>} : memref<50x64xf32, #tpu.memory_space<vmem>>, vector<1x16xf32>,
        %get3A_532 = vector.shape_cast %get3A_531 : vector<1x16xf32> to vector<16xf32>
        %add3A_533 = arith.addf %add3A_524, %get3A_532 : vector<16xf32>
        scf.yield %add3A_485, %add3A_501, %add3A_517, %add3A_533 : vector<16xf32>, vector<16xf32>, vector<16xf32>, vector<16xf32>
      }
      %scan3A_85 = arith.constant 25 : i32
      %swap3A = arith.index_cast %add3A_67 : i32 to index
      %swap3A_86 = arith.constant 0 : index
      %swap3A_87 = tpu.vector_load %arg6[%swap3A, %swap3A_86] {strides = array<i32>} : memref<128x64xf32, #tpu.memory_space<vmem>>, vector<1x16xf32>,
      %swap3A_88 = vector.shape_cast %swap3A_87 : vector<1x16xf32> to vector<16xf32>
      %swap3A_89 = vector.shape_cast %scan3A_84#0 : vector<16xf32> to vector<1x16xf32>
      tpu.vector_store %arg6[%swap3A, %swap3A_86], %swap3A_89 {strides = array<i32>} : memref<128x64xf32, #tpu.memory_space<vmem>>, vector<1x16xf32>,
      %swap3A_90 = arith.index_cast %add3A_67 : i32 to index
      %swap3A_91 = arith.constant 16 : index
      %swap3A_92 = tpu.vector_load %arg6[%swap3A_90, %swap3A_91] {strides = array<i32>} : memref<128x64xf32, #tpu.memory_space<vmem>>, vector<1x16xf32>,
      %swap3A_93 = vector.shape_cast %swap3A_92 : vector<1x16xf32> to vector<16xf32>
      %swap3A_94 = vector.shape_cast %scan3A_84#1 : vector<16xf32> to vector<1x16xf32>
      tpu.vector_store %arg6[%swap3A_90, %swap3A_91], %swap3A_94 {strides = array<i32>} : memref<128x64xf32, #tpu.memory_space<vmem>>, vector<1x16xf32>,
      %swap3A_95 = arith.index_cast %add3A_67 : i32 to index
      %swap3A_96 = arith.constant 32 : index
      %swap3A_97 = tpu.vector_load %arg6[%swap3A_95, %swap3A_96] {strides = array<i32>} : memref<128x64xf32, #tpu.memory_space<vmem>>, vector<1x16xf32>,
      %swap3A_98 = vector.shape_cast %swap3A_97 : vector<1x16xf32> to vector<16xf32>
      %swap3A_99 = vector.shape_cast %scan3A_84#2 : vector<16xf32> to vector<1x16xf32>
      tpu.vector_store %arg6[%swap3A_95, %swap3A_96], %swap3A_99 {strides = array<i32>} : memref<128x64xf32, #tpu.memory_space<vmem>>, vector<1x16xf32>,
      %swap3A_100 = arith.index_cast %add3A_67 : i32 to index
      %swap3A_101 = arith.constant 48 : index
      %swap3A_102 = tpu.vector_load %arg6[%swap3A_100, %swap3A_101] {strides = array<i32>} : memref<128x64xf32, #tpu.memory_space<vmem>>, vector<1x16xf32>,
      %swap3A_103 = vector.shape_cast %swap3A_102 : vector<1x16xf32> to vector<16xf32>
      %swap3A_104 = vector.shape_cast %scan3A_84#3 : vector<16xf32> to vector<1x16xf32>
      tpu.vector_store %arg6[%swap3A_100, %swap3A_101], %swap3A_104 {strides = array<i32>} : memref<128x64xf32, #tpu.memory_space<vmem>>, vector<1x16xf32>,
      %add3A_105 = arith.constant 8 : i32
      %add3A_106 = arith.addi %add3A_67, %add3A_105 : i32
      %lt3A = arith.constant 128 : i32
      %lt3A_107 = arith.cmpi slt, %add3A_106, %lt3A : i32
      %convert_element_type3A = arith.extui %lt3A_107 : i1 to i32
      %cond3A = arith.constant 0 : i32
      %cond3A_108 = arith.cmpi ne, %convert_element_type3A, %cond3A : i32
      scf.if %cond3A_108 {
        %add3A_466 = arith.constant 8 : i32
        %add3A_467 = arith.addi %add3A_67, %add3A_466 : i32
        %dma_start3A_468 = arith.constant 0 : i32
        %dma_start3A_469 = tpu.memref_slice %arg5[%add3A_467, %dma_start3A_468] : memref<128x50xi32, #tpu.memory_space<vmem>> -> memref<1x50xi32, #tpu.memory_space<vmem>>
        %dma_start3A_470 = tpu.memref_squeeze %dma_start3A_469 : memref<1x50xi32, #tpu.memory_space<vmem>> -> memref<50xi32, #tpu.memory_space<vmem>>
        %dma_start3A_471 = arith.constant 0 : i32
        %dma_start3A_472 = arith.constant 0 : i32
        %dma_start3A_473 = tpu.memref_slice %arg3[%dma_start3A_471, %dma_start3A_472] : memref<1048576x64xf32, #tpu.memory_space<hbm>> -> memref<1048576x64xf32, #tpu.memory_space<hbm>>
        tpu.enqueue_indirect_dma source(%dma_start3A_473 : memref<1048576x64xf32, #tpu.memory_space<hbm>>) target(%arg7 : memref<50x64xf32, #tpu.memory_space<vmem>>) offsets(%dma_start3A_470 : memref<50xi32, #tpu.memory_space<vmem>>) semaphore(%arg15 : memref<!tpu.dma_semaphore, #tpu.memory_space<semaphore_mem>>)
      } else {
      }
      %mul3A_109 = arith.constant 8 : i32
      %mul3A_110 = arith.muli %scan3A_63, %mul3A_109 : i32
      %add3A_111 = arith.constant 1 : i32
      %add3A_112 = arith.addi %mul3A_110, %add3A_111 : i32
      %dma_wait3A_113 = arith.constant 0 : i32
      %dma_wait3A_114 = tpu.memref_slice %arg5[%add3A_112, %dma_wait3A_113] : memref<128x50xi32, #tpu.memory_space<vmem>> -> memref<1x50xi32, #tpu.memory_space<vmem>>
      %dma_wait3A_115 = tpu.memref_squeeze %dma_wait3A_114 : memref<1x50xi32, #tpu.memory_space<vmem>> -> memref<50xi32, #tpu.memory_space<vmem>>
      %dma_wait3A_116 = arith.constant 0 : i32
      %dma_wait3A_117 = arith.constant 0 : i32
      %dma_wait3A_118 = tpu.memref_slice %arg3[%dma_wait3A_116, %dma_wait3A_117] : memref<1048576x64xf32, #tpu.memory_space<hbm>> -> memref<1048576x64xf32, #tpu.memory_space<hbm>>
      tpu.wait_indirect_dma semaphore(%arg16 : memref<!tpu.dma_semaphore, #tpu.memory_space<semaphore_mem>>) src(%dma_wait3A_118 : memref<1048576x64xf32, #tpu.memory_space<hbm>>) dst(%arg8 : memref<50x64xf32, #tpu.memory_space<vmem>>)
      %broadcast_in_dim3A_119 = arith.constant 0.000000e+00 : f32
      %broadcast_in_dim3A_120 = vector.broadcast %broadcast_in_dim3A_119 : f32 to vector<16xf32>
      %broadcast_in_dim3A_121 = arith.constant 0.000000e+00 : f32
      %broadcast_in_dim3A_122 = vector.broadcast %broadcast_in_dim3A_121 : f32 to vector<16xf32>
      %broadcast_in_dim3A_123 = arith.constant 0.000000e+00 : f32
      %broadcast_in_dim3A_124 = vector.broadcast %broadcast_in_dim3A_123 : f32 to vector<16xf32>
      %broadcast_in_dim3A_125 = arith.constant 0.000000e+00 : f32
      %broadcast_in_dim3A_126 = vector.broadcast %broadcast_in_dim3A_125 : f32 to vector<16xf32>
      %scan3A_127 = arith.constant 0 : i32
      %scan3A_128 = arith.constant 25 : i32
      %scan3A_129 = arith.addi %scan3A_127, %scan3A_128 : i32
      %scan3A_130 = arith.constant 1 : i32
      %scan3A_131:4 = scf.for %scan3A_466 = %scan3A_127 to %scan3A_129 step %scan3A_130 iter_args(%scan3A_467 = %broadcast_in_dim3A_120, %scan3A_468 = %broadcast_in_dim3A_122, %scan3A_469 = %broadcast_in_dim3A_124, %scan3A_470 = %broadcast_in_dim3A_126) -> (vector<16xf32>, vector<16xf32>, vector<16xf32>, vector<16xf32>)  : i32 {
        %mul3A_471 = arith.constant 2 : i32
        %mul3A_472 = arith.muli %mul3A_471, %scan3A_466 : i32
        %get3A = arith.index_cast %mul3A_472 : i32 to index
        %get3A_473 = arith.constant 0 : index
        %get3A_474 = tpu.vector_load %arg8[%get3A, %get3A_473] {strides = array<i32>} : memref<50x64xf32, #tpu.memory_space<vmem>>, vector<1x16xf32>,
        %get3A_475 = vector.shape_cast %get3A_474 : vector<1x16xf32> to vector<16xf32>
        %add3A_476 = arith.addf %scan3A_467, %get3A_475 : vector<16xf32>
        %mul3A_477 = arith.constant 2 : i32
        %mul3A_478 = arith.muli %mul3A_477, %scan3A_466 : i32
        %add3A_479 = arith.constant 1 : i32
        %add3A_480 = arith.addi %mul3A_478, %add3A_479 : i32
        %get3A_481 = arith.index_cast %add3A_480 : i32 to index
        %get3A_482 = arith.constant 0 : index
        %get3A_483 = tpu.vector_load %arg8[%get3A_481, %get3A_482] {strides = array<i32>} : memref<50x64xf32, #tpu.memory_space<vmem>>, vector<1x16xf32>,
        %get3A_484 = vector.shape_cast %get3A_483 : vector<1x16xf32> to vector<16xf32>
        %add3A_485 = arith.addf %add3A_476, %get3A_484 : vector<16xf32>
        %mul3A_486 = arith.constant 2 : i32
        %mul3A_487 = arith.muli %mul3A_486, %scan3A_466 : i32
        %get3A_488 = arith.index_cast %mul3A_487 : i32 to index
        %get3A_489 = arith.constant 16 : index
        %get3A_490 = tpu.vector_load %arg8[%get3A_488, %get3A_489] {strides = array<i32>} : memref<50x64xf32, #tpu.memory_space<vmem>>, vector<1x16xf32>,
        %get3A_491 = vector.shape_cast %get3A_490 : vector<1x16xf32> to vector<16xf32>
        %add3A_492 = arith.addf %scan3A_468, %get3A_491 : vector<16xf32>
        %mul3A_493 = arith.constant 2 : i32
        %mul3A_494 = arith.muli %mul3A_493, %scan3A_466 : i32
        %add3A_495 = arith.constant 1 : i32
        %add3A_496 = arith.addi %mul3A_494, %add3A_495 : i32
        %get3A_497 = arith.index_cast %add3A_496 : i32 to index
        %get3A_498 = arith.constant 16 : index
        %get3A_499 = tpu.vector_load %arg8[%get3A_497, %get3A_498] {strides = array<i32>} : memref<50x64xf32, #tpu.memory_space<vmem>>, vector<1x16xf32>,
        %get3A_500 = vector.shape_cast %get3A_499 : vector<1x16xf32> to vector<16xf32>
        %add3A_501 = arith.addf %add3A_492, %get3A_500 : vector<16xf32>
        %mul3A_502 = arith.constant 2 : i32
        %mul3A_503 = arith.muli %mul3A_502, %scan3A_466 : i32
        %get3A_504 = arith.index_cast %mul3A_503 : i32 to index
        %get3A_505 = arith.constant 32 : index
        %get3A_506 = tpu.vector_load %arg8[%get3A_504, %get3A_505] {strides = array<i32>} : memref<50x64xf32, #tpu.memory_space<vmem>>, vector<1x16xf32>,
        %get3A_507 = vector.shape_cast %get3A_506 : vector<1x16xf32> to vector<16xf32>
        %add3A_508 = arith.addf %scan3A_469, %get3A_507 : vector<16xf32>
        %mul3A_509 = arith.constant 2 : i32
        %mul3A_510 = arith.muli %mul3A_509, %scan3A_466 : i32
        %add3A_511 = arith.constant 1 : i32
        %add3A_512 = arith.addi %mul3A_510, %add3A_511 : i32
        %get3A_513 = arith.index_cast %add3A_512 : i32 to index
        %get3A_514 = arith.constant 32 : index
        %get3A_515 = tpu.vector_load %arg8[%get3A_513, %get3A_514] {strides = array<i32>} : memref<50x64xf32, #tpu.memory_space<vmem>>, vector<1x16xf32>,
        %get3A_516 = vector.shape_cast %get3A_515 : vector<1x16xf32> to vector<16xf32>
        %add3A_517 = arith.addf %add3A_508, %get3A_516 : vector<16xf32>
        %mul3A_518 = arith.constant 2 : i32
        %mul3A_519 = arith.muli %mul3A_518, %scan3A_466 : i32
        %get3A_520 = arith.index_cast %mul3A_519 : i32 to index
        %get3A_521 = arith.constant 48 : index
        %get3A_522 = tpu.vector_load %arg8[%get3A_520, %get3A_521] {strides = array<i32>} : memref<50x64xf32, #tpu.memory_space<vmem>>, vector<1x16xf32>,
        %get3A_523 = vector.shape_cast %get3A_522 : vector<1x16xf32> to vector<16xf32>
        %add3A_524 = arith.addf %scan3A_470, %get3A_523 : vector<16xf32>
        %mul3A_525 = arith.constant 2 : i32
        %mul3A_526 = arith.muli %mul3A_525, %scan3A_466 : i32
        %add3A_527 = arith.constant 1 : i32
        %add3A_528 = arith.addi %mul3A_526, %add3A_527 : i32
        %get3A_529 = arith.index_cast %add3A_528 : i32 to index
        %get3A_530 = arith.constant 48 : index
        %get3A_531 = tpu.vector_load %arg8[%get3A_529, %get3A_530] {strides = array<i32>} : memref<50x64xf32, #tpu.memory_space<vmem>>, vector<1x16xf32>,
        %get3A_532 = vector.shape_cast %get3A_531 : vector<1x16xf32> to vector<16xf32>
        %add3A_533 = arith.addf %add3A_524, %get3A_532 : vector<16xf32>
        scf.yield %add3A_485, %add3A_501, %add3A_517, %add3A_533 : vector<16xf32>, vector<16xf32>, vector<16xf32>, vector<16xf32>
      }
      %scan3A_132 = arith.constant 25 : i32
      %swap3A_133 = arith.index_cast %add3A_112 : i32 to index
      %swap3A_134 = arith.constant 0 : index
      %swap3A_135 = tpu.vector_load %arg6[%swap3A_133, %swap3A_134] {strides = array<i32>} : memref<128x64xf32, #tpu.memory_space<vmem>>, vector<1x16xf32>,
      %swap3A_136 = vector.shape_cast %swap3A_135 : vector<1x16xf32> to vector<16xf32>
      %swap3A_137 = vector.shape_cast %scan3A_131#0 : vector<16xf32> to vector<1x16xf32>
      tpu.vector_store %arg6[%swap3A_133, %swap3A_134], %swap3A_137 {strides = array<i32>} : memref<128x64xf32, #tpu.memory_space<vmem>>, vector<1x16xf32>,
      %swap3A_138 = arith.index_cast %add3A_112 : i32 to index
      %swap3A_139 = arith.constant 16 : index
      %swap3A_140 = tpu.vector_load %arg6[%swap3A_138, %swap3A_139] {strides = array<i32>} : memref<128x64xf32, #tpu.memory_space<vmem>>, vector<1x16xf32>,
      %swap3A_141 = vector.shape_cast %swap3A_140 : vector<1x16xf32> to vector<16xf32>
      %swap3A_142 = vector.shape_cast %scan3A_131#1 : vector<16xf32> to vector<1x16xf32>
      tpu.vector_store %arg6[%swap3A_138, %swap3A_139], %swap3A_142 {strides = array<i32>} : memref<128x64xf32, #tpu.memory_space<vmem>>, vector<1x16xf32>,
      %swap3A_143 = arith.index_cast %add3A_112 : i32 to index
      %swap3A_144 = arith.constant 32 : index
      %swap3A_145 = tpu.vector_load %arg6[%swap3A_143, %swap3A_144] {strides = array<i32>} : memref<128x64xf32, #tpu.memory_space<vmem>>, vector<1x16xf32>,
      %swap3A_146 = vector.shape_cast %swap3A_145 : vector<1x16xf32> to vector<16xf32>
      %swap3A_147 = vector.shape_cast %scan3A_131#2 : vector<16xf32> to vector<1x16xf32>
      tpu.vector_store %arg6[%swap3A_143, %swap3A_144], %swap3A_147 {strides = array<i32>} : memref<128x64xf32, #tpu.memory_space<vmem>>, vector<1x16xf32>,
      %swap3A_148 = arith.index_cast %add3A_112 : i32 to index
      %swap3A_149 = arith.constant 48 : index
      %swap3A_150 = tpu.vector_load %arg6[%swap3A_148, %swap3A_149] {strides = array<i32>} : memref<128x64xf32, #tpu.memory_space<vmem>>, vector<1x16xf32>,
      %swap3A_151 = vector.shape_cast %swap3A_150 : vector<1x16xf32> to vector<16xf32>
      %swap3A_152 = vector.shape_cast %scan3A_131#3 : vector<16xf32> to vector<1x16xf32>
      tpu.vector_store %arg6[%swap3A_148, %swap3A_149], %swap3A_152 {strides = array<i32>} : memref<128x64xf32, #tpu.memory_space<vmem>>, vector<1x16xf32>,
      %add3A_153 = arith.constant 8 : i32
      %add3A_154 = arith.addi %add3A_112, %add3A_153 : i32
      %lt3A_155 = arith.constant 128 : i32
      %lt3A_156 = arith.cmpi slt, %add3A_154, %lt3A_155 : i32
      %convert_element_type3A_157 = arith.extui %lt3A_156 : i1 to i32
      %cond3A_158 = arith.constant 0 : i32
      %cond3A_159 = arith.cmpi ne, %convert_element_type3A_157, %cond3A_158 : i32
      scf.if %cond3A_159 {
        %add3A_466 = arith.constant 8 : i32
        %add3A_467 = arith.addi %add3A_112, %add3A_466 : i32
        %dma_start3A_468 = arith.constant 0 : i32
        %dma_start3A_469 = tpu.memref_slice %arg5[%add3A_467, %dma_start3A_468] : memref<128x50xi32, #tpu.memory_space<vmem>> -> memref<1x50xi32, #tpu.memory_space<vmem>>
        %dma_start3A_470 = tpu.memref_squeeze %dma_start3A_469 : memref<1x50xi32, #tpu.memory_space<vmem>> -> memref<50xi32, #tpu.memory_space<vmem>>
        %dma_start3A_471 = arith.constant 0 : i32
        %dma_start3A_472 = arith.constant 0 : i32
        %dma_start3A_473 = tpu.memref_slice %arg3[%dma_start3A_471, %dma_start3A_472] : memref<1048576x64xf32, #tpu.memory_space<hbm>> -> memref<1048576x64xf32, #tpu.memory_space<hbm>>
        tpu.enqueue_indirect_dma source(%dma_start3A_473 : memref<1048576x64xf32, #tpu.memory_space<hbm>>) target(%arg8 : memref<50x64xf32, #tpu.memory_space<vmem>>) offsets(%dma_start3A_470 : memref<50xi32, #tpu.memory_space<vmem>>) semaphore(%arg16 : memref<!tpu.dma_semaphore, #tpu.memory_space<semaphore_mem>>)
      } else {
      }
      %mul3A_160 = arith.constant 8 : i32
      %mul3A_161 = arith.muli %scan3A_63, %mul3A_160 : i32
      %add3A_162 = arith.constant 2 : i32
      %add3A_163 = arith.addi %mul3A_161, %add3A_162 : i32
      %dma_wait3A_164 = arith.constant 0 : i32
      %dma_wait3A_165 = tpu.memref_slice %arg5[%add3A_163, %dma_wait3A_164] : memref<128x50xi32, #tpu.memory_space<vmem>> -> memref<1x50xi32, #tpu.memory_space<vmem>>
      %dma_wait3A_166 = tpu.memref_squeeze %dma_wait3A_165 : memref<1x50xi32, #tpu.memory_space<vmem>> -> memref<50xi32, #tpu.memory_space<vmem>>
      %dma_wait3A_167 = arith.constant 0 : i32
      %dma_wait3A_168 = arith.constant 0 : i32
      %dma_wait3A_169 = tpu.memref_slice %arg3[%dma_wait3A_167, %dma_wait3A_168] : memref<1048576x64xf32, #tpu.memory_space<hbm>> -> memref<1048576x64xf32, #tpu.memory_space<hbm>>
      tpu.wait_indirect_dma semaphore(%arg17 : memref<!tpu.dma_semaphore, #tpu.memory_space<semaphore_mem>>) src(%dma_wait3A_169 : memref<1048576x64xf32, #tpu.memory_space<hbm>>) dst(%arg9 : memref<50x64xf32, #tpu.memory_space<vmem>>)
      %broadcast_in_dim3A_170 = arith.constant 0.000000e+00 : f32
      %broadcast_in_dim3A_171 = vector.broadcast %broadcast_in_dim3A_170 : f32 to vector<16xf32>
      %broadcast_in_dim3A_172 = arith.constant 0.000000e+00 : f32
      %broadcast_in_dim3A_173 = vector.broadcast %broadcast_in_dim3A_172 : f32 to vector<16xf32>
      %broadcast_in_dim3A_174 = arith.constant 0.000000e+00 : f32
      %broadcast_in_dim3A_175 = vector.broadcast %broadcast_in_dim3A_174 : f32 to vector<16xf32>
      %broadcast_in_dim3A_176 = arith.constant 0.000000e+00 : f32
      %broadcast_in_dim3A_177 = vector.broadcast %broadcast_in_dim3A_176 : f32 to vector<16xf32>
      %scan3A_178 = arith.constant 0 : i32
      %scan3A_179 = arith.constant 25 : i32
      %scan3A_180 = arith.addi %scan3A_178, %scan3A_179 : i32
      %scan3A_181 = arith.constant 1 : i32
      %scan3A_182:4 = scf.for %scan3A_466 = %scan3A_178 to %scan3A_180 step %scan3A_181 iter_args(%scan3A_467 = %broadcast_in_dim3A_171, %scan3A_468 = %broadcast_in_dim3A_173, %scan3A_469 = %broadcast_in_dim3A_175, %scan3A_470 = %broadcast_in_dim3A_177) -> (vector<16xf32>, vector<16xf32>, vector<16xf32>, vector<16xf32>)  : i32 {
        %mul3A_471 = arith.constant 2 : i32
        %mul3A_472 = arith.muli %mul3A_471, %scan3A_466 : i32
        %get3A = arith.index_cast %mul3A_472 : i32 to index
        %get3A_473 = arith.constant 0 : index
        %get3A_474 = tpu.vector_load %arg9[%get3A, %get3A_473] {strides = array<i32>} : memref<50x64xf32, #tpu.memory_space<vmem>>, vector<1x16xf32>,
        %get3A_475 = vector.shape_cast %get3A_474 : vector<1x16xf32> to vector<16xf32>
        %add3A_476 = arith.addf %scan3A_467, %get3A_475 : vector<16xf32>
        %mul3A_477 = arith.constant 2 : i32
        %mul3A_478 = arith.muli %mul3A_477, %scan3A_466 : i32
        %add3A_479 = arith.constant 1 : i32
        %add3A_480 = arith.addi %mul3A_478, %add3A_479 : i32
        %get3A_481 = arith.index_cast %add3A_480 : i32 to index
        %get3A_482 = arith.constant 0 : index
        %get3A_483 = tpu.vector_load %arg9[%get3A_481, %get3A_482] {strides = array<i32>} : memref<50x64xf32, #tpu.memory_space<vmem>>, vector<1x16xf32>,
        %get3A_484 = vector.shape_cast %get3A_483 : vector<1x16xf32> to vector<16xf32>
        %add3A_485 = arith.addf %add3A_476, %get3A_484 : vector<16xf32>
        %mul3A_486 = arith.constant 2 : i32
        %mul3A_487 = arith.muli %mul3A_486, %scan3A_466 : i32
        %get3A_488 = arith.index_cast %mul3A_487 : i32 to index
        %get3A_489 = arith.constant 16 : index
        %get3A_490 = tpu.vector_load %arg9[%get3A_488, %get3A_489] {strides = array<i32>} : memref<50x64xf32, #tpu.memory_space<vmem>>, vector<1x16xf32>,
        %get3A_491 = vector.shape_cast %get3A_490 : vector<1x16xf32> to vector<16xf32>
        %add3A_492 = arith.addf %scan3A_468, %get3A_491 : vector<16xf32>
        %mul3A_493 = arith.constant 2 : i32
        %mul3A_494 = arith.muli %mul3A_493, %scan3A_466 : i32
        %add3A_495 = arith.constant 1 : i32
        %add3A_496 = arith.addi %mul3A_494, %add3A_495 : i32
        %get3A_497 = arith.index_cast %add3A_496 : i32 to index
        %get3A_498 = arith.constant 16 : index
        %get3A_499 = tpu.vector_load %arg9[%get3A_497, %get3A_498] {strides = array<i32>} : memref<50x64xf32, #tpu.memory_space<vmem>>, vector<1x16xf32>,
        %get3A_500 = vector.shape_cast %get3A_499 : vector<1x16xf32> to vector<16xf32>
        %add3A_501 = arith.addf %add3A_492, %get3A_500 : vector<16xf32>
        %mul3A_502 = arith.constant 2 : i32
        %mul3A_503 = arith.muli %mul3A_502, %scan3A_466 : i32
        %get3A_504 = arith.index_cast %mul3A_503 : i32 to index
        %get3A_505 = arith.constant 32 : index
        %get3A_506 = tpu.vector_load %arg9[%get3A_504, %get3A_505] {strides = array<i32>} : memref<50x64xf32, #tpu.memory_space<vmem>>, vector<1x16xf32>,
        %get3A_507 = vector.shape_cast %get3A_506 : vector<1x16xf32> to vector<16xf32>
        %add3A_508 = arith.addf %scan3A_469, %get3A_507 : vector<16xf32>
        %mul3A_509 = arith.constant 2 : i32
        %mul3A_510 = arith.muli %mul3A_509, %scan3A_466 : i32
        %add3A_511 = arith.constant 1 : i32
        %add3A_512 = arith.addi %mul3A_510, %add3A_511 : i32
        %get3A_513 = arith.index_cast %add3A_512 : i32 to index
        %get3A_514 = arith.constant 32 : index
        %get3A_515 = tpu.vector_load %arg9[%get3A_513, %get3A_514] {strides = array<i32>} : memref<50x64xf32, #tpu.memory_space<vmem>>, vector<1x16xf32>,
        %get3A_516 = vector.shape_cast %get3A_515 : vector<1x16xf32> to vector<16xf32>
        %add3A_517 = arith.addf %add3A_508, %get3A_516 : vector<16xf32>
        %mul3A_518 = arith.constant 2 : i32
        %mul3A_519 = arith.muli %mul3A_518, %scan3A_466 : i32
        %get3A_520 = arith.index_cast %mul3A_519 : i32 to index
        %get3A_521 = arith.constant 48 : index
        %get3A_522 = tpu.vector_load %arg9[%get3A_520, %get3A_521] {strides = array<i32>} : memref<50x64xf32, #tpu.memory_space<vmem>>, vector<1x16xf32>,
        %get3A_523 = vector.shape_cast %get3A_522 : vector<1x16xf32> to vector<16xf32>
        %add3A_524 = arith.addf %scan3A_470, %get3A_523 : vector<16xf32>
        %mul3A_525 = arith.constant 2 : i32
        %mul3A_526 = arith.muli %mul3A_525, %scan3A_466 : i32
        %add3A_527 = arith.constant 1 : i32
        %add3A_528 = arith.addi %mul3A_526, %add3A_527 : i32
        %get3A_529 = arith.index_cast %add3A_528 : i32 to index
        %get3A_530 = arith.constant 48 : index
        %get3A_531 = tpu.vector_load %arg9[%get3A_529, %get3A_530] {strides = array<i32>} : memref<50x64xf32, #tpu.memory_space<vmem>>, vector<1x16xf32>,
        %get3A_532 = vector.shape_cast %get3A_531 : vector<1x16xf32> to vector<16xf32>
        %add3A_533 = arith.addf %add3A_524, %get3A_532 : vector<16xf32>
        scf.yield %add3A_485, %add3A_501, %add3A_517, %add3A_533 : vector<16xf32>, vector<16xf32>, vector<16xf32>, vector<16xf32>
      }
      %scan3A_183 = arith.constant 25 : i32
      %swap3A_184 = arith.index_cast %add3A_163 : i32 to index
      %swap3A_185 = arith.constant 0 : index
      %swap3A_186 = tpu.vector_load %arg6[%swap3A_184, %swap3A_185] {strides = array<i32>} : memref<128x64xf32, #tpu.memory_space<vmem>>, vector<1x16xf32>,
      %swap3A_187 = vector.shape_cast %swap3A_186 : vector<1x16xf32> to vector<16xf32>
      %swap3A_188 = vector.shape_cast %scan3A_182#0 : vector<16xf32> to vector<1x16xf32>
      tpu.vector_store %arg6[%swap3A_184, %swap3A_185], %swap3A_188 {strides = array<i32>} : memref<128x64xf32, #tpu.memory_space<vmem>>, vector<1x16xf32>,
      %swap3A_189 = arith.index_cast %add3A_163 : i32 to index
      %swap3A_190 = arith.constant 16 : index
      %swap3A_191 = tpu.vector_load %arg6[%swap3A_189, %swap3A_190] {strides = array<i32>} : memref<128x64xf32, #tpu.memory_space<vmem>>, vector<1x16xf32>,
      %swap3A_192 = vector.shape_cast %swap3A_191 : vector<1x16xf32> to vector<16xf32>
      %swap3A_193 = vector.shape_cast %scan3A_182#1 : vector<16xf32> to vector<1x16xf32>
      tpu.vector_store %arg6[%swap3A_189, %swap3A_190], %swap3A_193 {strides = array<i32>} : memref<128x64xf32, #tpu.memory_space<vmem>>, vector<1x16xf32>,
      %swap3A_194 = arith.index_cast %add3A_163 : i32 to index
      %swap3A_195 = arith.constant 32 : index
      %swap3A_196 = tpu.vector_load %arg6[%swap3A_194, %swap3A_195] {strides = array<i32>} : memref<128x64xf32, #tpu.memory_space<vmem>>, vector<1x16xf32>,
      %swap3A_197 = vector.shape_cast %swap3A_196 : vector<1x16xf32> to vector<16xf32>
      %swap3A_198 = vector.shape_cast %scan3A_182#2 : vector<16xf32> to vector<1x16xf32>
      tpu.vector_store %arg6[%swap3A_194, %swap3A_195], %swap3A_198 {strides = array<i32>} : memref<128x64xf32, #tpu.memory_space<vmem>>, vector<1x16xf32>,
      %swap3A_199 = arith.index_cast %add3A_163 : i32 to index
      %swap3A_200 = arith.constant 48 : index
      %swap3A_201 = tpu.vector_load %arg6[%swap3A_199, %swap3A_200] {strides = array<i32>} : memref<128x64xf32, #tpu.memory_space<vmem>>, vector<1x16xf32>,
      %swap3A_202 = vector.shape_cast %swap3A_201 : vector<1x16xf32> to vector<16xf32>
      %swap3A_203 = vector.shape_cast %scan3A_182#3 : vector<16xf32> to vector<1x16xf32>
      tpu.vector_store %arg6[%swap3A_199, %swap3A_200], %swap3A_203 {strides = array<i32>} : memref<128x64xf32, #tpu.memory_space<vmem>>, vector<1x16xf32>,
      %add3A_204 = arith.constant 8 : i32
      %add3A_205 = arith.addi %add3A_163, %add3A_204 : i32
      %lt3A_206 = arith.constant 128 : i32
      %lt3A_207 = arith.cmpi slt, %add3A_205, %lt3A_206 : i32
      %convert_element_type3A_208 = arith.extui %lt3A_207 : i1 to i32
      %cond3A_209 = arith.constant 0 : i32
      %cond3A_210 = arith.cmpi ne, %convert_element_type3A_208, %cond3A_209 : i32
      scf.if %cond3A_210 {
        %add3A_466 = arith.constant 8 : i32
        %add3A_467 = arith.addi %add3A_163, %add3A_466 : i32
        %dma_start3A_468 = arith.constant 0 : i32
        %dma_start3A_469 = tpu.memref_slice %arg5[%add3A_467, %dma_start3A_468] : memref<128x50xi32, #tpu.memory_space<vmem>> -> memref<1x50xi32, #tpu.memory_space<vmem>>
        %dma_start3A_470 = tpu.memref_squeeze %dma_start3A_469 : memref<1x50xi32, #tpu.memory_space<vmem>> -> memref<50xi32, #tpu.memory_space<vmem>>
        %dma_start3A_471 = arith.constant 0 : i32
        %dma_start3A_472 = arith.constant 0 : i32
        %dma_start3A_473 = tpu.memref_slice %arg3[%dma_start3A_471, %dma_start3A_472] : memref<1048576x64xf32, #tpu.memory_space<hbm>> -> memref<1048576x64xf32, #tpu.memory_space<hbm>>
        tpu.enqueue_indirect_dma source(%dma_start3A_473 : memref<1048576x64xf32, #tpu.memory_space<hbm>>) target(%arg9 : memref<50x64xf32, #tpu.memory_space<vmem>>) offsets(%dma_start3A_470 : memref<50xi32, #tpu.memory_space<vmem>>) semaphore(%arg17 : memref<!tpu.dma_semaphore, #tpu.memory_space<semaphore_mem>>)
      } else {
      }
      %mul3A_211 = arith.constant 8 : i32
      %mul3A_212 = arith.muli %scan3A_63, %mul3A_211 : i32
      %add3A_213 = arith.constant 3 : i32
      %add3A_214 = arith.addi %mul3A_212, %add3A_213 : i32
      %dma_wait3A_215 = arith.constant 0 : i32
      %dma_wait3A_216 = tpu.memref_slice %arg5[%add3A_214, %dma_wait3A_215] : memref<128x50xi32, #tpu.memory_space<vmem>> -> memref<1x50xi32, #tpu.memory_space<vmem>>
      %dma_wait3A_217 = tpu.memref_squeeze %dma_wait3A_216 : memref<1x50xi32, #tpu.memory_space<vmem>> -> memref<50xi32, #tpu.memory_space<vmem>>
      %dma_wait3A_218 = arith.constant 0 : i32
      %dma_wait3A_219 = arith.constant 0 : i32
      %dma_wait3A_220 = tpu.memref_slice %arg3[%dma_wait3A_218, %dma_wait3A_219] : memref<1048576x64xf32, #tpu.memory_space<hbm>> -> memref<1048576x64xf32, #tpu.memory_space<hbm>>
      tpu.wait_indirect_dma semaphore(%arg18 : memref<!tpu.dma_semaphore, #tpu.memory_space<semaphore_mem>>) src(%dma_wait3A_220 : memref<1048576x64xf32, #tpu.memory_space<hbm>>) dst(%arg10 : memref<50x64xf32, #tpu.memory_space<vmem>>)
      %broadcast_in_dim3A_221 = arith.constant 0.000000e+00 : f32
      %broadcast_in_dim3A_222 = vector.broadcast %broadcast_in_dim3A_221 : f32 to vector<16xf32>
      %broadcast_in_dim3A_223 = arith.constant 0.000000e+00 : f32
      %broadcast_in_dim3A_224 = vector.broadcast %broadcast_in_dim3A_223 : f32 to vector<16xf32>
      %broadcast_in_dim3A_225 = arith.constant 0.000000e+00 : f32
      %broadcast_in_dim3A_226 = vector.broadcast %broadcast_in_dim3A_225 : f32 to vector<16xf32>
      %broadcast_in_dim3A_227 = arith.constant 0.000000e+00 : f32
      %broadcast_in_dim3A_228 = vector.broadcast %broadcast_in_dim3A_227 : f32 to vector<16xf32>
      %scan3A_229 = arith.constant 0 : i32
      %scan3A_230 = arith.constant 25 : i32
      %scan3A_231 = arith.addi %scan3A_229, %scan3A_230 : i32
      %scan3A_232 = arith.constant 1 : i32
      %scan3A_233:4 = scf.for %scan3A_466 = %scan3A_229 to %scan3A_231 step %scan3A_232 iter_args(%scan3A_467 = %broadcast_in_dim3A_222, %scan3A_468 = %broadcast_in_dim3A_224, %scan3A_469 = %broadcast_in_dim3A_226, %scan3A_470 = %broadcast_in_dim3A_228) -> (vector<16xf32>, vector<16xf32>, vector<16xf32>, vector<16xf32>)  : i32 {
        %mul3A_471 = arith.constant 2 : i32
        %mul3A_472 = arith.muli %mul3A_471, %scan3A_466 : i32
        %get3A = arith.index_cast %mul3A_472 : i32 to index
        %get3A_473 = arith.constant 0 : index
        %get3A_474 = tpu.vector_load %arg10[%get3A, %get3A_473] {strides = array<i32>} : memref<50x64xf32, #tpu.memory_space<vmem>>, vector<1x16xf32>,
        %get3A_475 = vector.shape_cast %get3A_474 : vector<1x16xf32> to vector<16xf32>
        %add3A_476 = arith.addf %scan3A_467, %get3A_475 : vector<16xf32>
        %mul3A_477 = arith.constant 2 : i32
        %mul3A_478 = arith.muli %mul3A_477, %scan3A_466 : i32
        %add3A_479 = arith.constant 1 : i32
        %add3A_480 = arith.addi %mul3A_478, %add3A_479 : i32
        %get3A_481 = arith.index_cast %add3A_480 : i32 to index
        %get3A_482 = arith.constant 0 : index
        %get3A_483 = tpu.vector_load %arg10[%get3A_481, %get3A_482] {strides = array<i32>} : memref<50x64xf32, #tpu.memory_space<vmem>>, vector<1x16xf32>,
        %get3A_484 = vector.shape_cast %get3A_483 : vector<1x16xf32> to vector<16xf32>
        %add3A_485 = arith.addf %add3A_476, %get3A_484 : vector<16xf32>
        %mul3A_486 = arith.constant 2 : i32
        %mul3A_487 = arith.muli %mul3A_486, %scan3A_466 : i32
        %get3A_488 = arith.index_cast %mul3A_487 : i32 to index
        %get3A_489 = arith.constant 16 : index
        %get3A_490 = tpu.vector_load %arg10[%get3A_488, %get3A_489] {strides = array<i32>} : memref<50x64xf32, #tpu.memory_space<vmem>>, vector<1x16xf32>,
        %get3A_491 = vector.shape_cast %get3A_490 : vector<1x16xf32> to vector<16xf32>
        %add3A_492 = arith.addf %scan3A_468, %get3A_491 : vector<16xf32>
        %mul3A_493 = arith.constant 2 : i32
        %mul3A_494 = arith.muli %mul3A_493, %scan3A_466 : i32
        %add3A_495 = arith.constant 1 : i32
        %add3A_496 = arith.addi %mul3A_494, %add3A_495 : i32
        %get3A_497 = arith.index_cast %add3A_496 : i32 to index
        %get3A_498 = arith.constant 16 : index
        %get3A_499 = tpu.vector_load %arg10[%get3A_497, %get3A_498] {strides = array<i32>} : memref<50x64xf32, #tpu.memory_space<vmem>>, vector<1x16xf32>,
        %get3A_500 = vector.shape_cast %get3A_499 : vector<1x16xf32> to vector<16xf32>
        %add3A_501 = arith.addf %add3A_492, %get3A_500 : vector<16xf32>
        %mul3A_502 = arith.constant 2 : i32
        %mul3A_503 = arith.muli %mul3A_502, %scan3A_466 : i32
        %get3A_504 = arith.index_cast %mul3A_503 : i32 to index
        %get3A_505 = arith.constant 32 : index
        %get3A_506 = tpu.vector_load %arg10[%get3A_504, %get3A_505] {strides = array<i32>} : memref<50x64xf32, #tpu.memory_space<vmem>>, vector<1x16xf32>,
        %get3A_507 = vector.shape_cast %get3A_506 : vector<1x16xf32> to vector<16xf32>
        %add3A_508 = arith.addf %scan3A_469, %get3A_507 : vector<16xf32>
        %mul3A_509 = arith.constant 2 : i32
        %mul3A_510 = arith.muli %mul3A_509, %scan3A_466 : i32
        %add3A_511 = arith.constant 1 : i32
        %add3A_512 = arith.addi %mul3A_510, %add3A_511 : i32
        %get3A_513 = arith.index_cast %add3A_512 : i32 to index
        %get3A_514 = arith.constant 32 : index
        %get3A_515 = tpu.vector_load %arg10[%get3A_513, %get3A_514] {strides = array<i32>} : memref<50x64xf32, #tpu.memory_space<vmem>>, vector<1x16xf32>,
        %get3A_516 = vector.shape_cast %get3A_515 : vector<1x16xf32> to vector<16xf32>
        %add3A_517 = arith.addf %add3A_508, %get3A_516 : vector<16xf32>
        %mul3A_518 = arith.constant 2 : i32
        %mul3A_519 = arith.muli %mul3A_518, %scan3A_466 : i32
        %get3A_520 = arith.index_cast %mul3A_519 : i32 to index
        %get3A_521 = arith.constant 48 : index
        %get3A_522 = tpu.vector_load %arg10[%get3A_520, %get3A_521] {strides = array<i32>} : memref<50x64xf32, #tpu.memory_space<vmem>>, vector<1x16xf32>,
        %get3A_523 = vector.shape_cast %get3A_522 : vector<1x16xf32> to vector<16xf32>
        %add3A_524 = arith.addf %scan3A_470, %get3A_523 : vector<16xf32>
        %mul3A_525 = arith.constant 2 : i32
        %mul3A_526 = arith.muli %mul3A_525, %scan3A_466 : i32
        %add3A_527 = arith.constant 1 : i32
        %add3A_528 = arith.addi %mul3A_526, %add3A_527 : i32
        %get3A_529 = arith.index_cast %add3A_528 : i32 to index
        %get3A_530 = arith.constant 48 : index
        %get3A_531 = tpu.vector_load %arg10[%get3A_529, %get3A_530] {strides = array<i32>} : memref<50x64xf32, #tpu.memory_space<vmem>>, vector<1x16xf32>,
        %get3A_532 = vector.shape_cast %get3A_531 : vector<1x16xf32> to vector<16xf32>
        %add3A_533 = arith.addf %add3A_524, %get3A_532 : vector<16xf32>
        scf.yield %add3A_485, %add3A_501, %add3A_517, %add3A_533 : vector<16xf32>, vector<16xf32>, vector<16xf32>, vector<16xf32>
      }
      %scan3A_234 = arith.constant 25 : i32
      %swap3A_235 = arith.index_cast %add3A_214 : i32 to index
      %swap3A_236 = arith.constant 0 : index
      %swap3A_237 = tpu.vector_load %arg6[%swap3A_235, %swap3A_236] {strides = array<i32>} : memref<128x64xf32, #tpu.memory_space<vmem>>, vector<1x16xf32>,
      %swap3A_238 = vector.shape_cast %swap3A_237 : vector<1x16xf32> to vector<16xf32>
      %swap3A_239 = vector.shape_cast %scan3A_233#0 : vector<16xf32> to vector<1x16xf32>
      tpu.vector_store %arg6[%swap3A_235, %swap3A_236], %swap3A_239 {strides = array<i32>} : memref<128x64xf32, #tpu.memory_space<vmem>>, vector<1x16xf32>,
      %swap3A_240 = arith.index_cast %add3A_214 : i32 to index
      %swap3A_241 = arith.constant 16 : index
      %swap3A_242 = tpu.vector_load %arg6[%swap3A_240, %swap3A_241] {strides = array<i32>} : memref<128x64xf32, #tpu.memory_space<vmem>>, vector<1x16xf32>,
      %swap3A_243 = vector.shape_cast %swap3A_242 : vector<1x16xf32> to vector<16xf32>
      %swap3A_244 = vector.shape_cast %scan3A_233#1 : vector<16xf32> to vector<1x16xf32>
      tpu.vector_store %arg6[%swap3A_240, %swap3A_241], %swap3A_244 {strides = array<i32>} : memref<128x64xf32, #tpu.memory_space<vmem>>, vector<1x16xf32>,
      %swap3A_245 = arith.index_cast %add3A_214 : i32 to index
      %swap3A_246 = arith.constant 32 : index
      %swap3A_247 = tpu.vector_load %arg6[%swap3A_245, %swap3A_246] {strides = array<i32>} : memref<128x64xf32, #tpu.memory_space<vmem>>, vector<1x16xf32>,
      %swap3A_248 = vector.shape_cast %swap3A_247 : vector<1x16xf32> to vector<16xf32>
      %swap3A_249 = vector.shape_cast %scan3A_233#2 : vector<16xf32> to vector<1x16xf32>
      tpu.vector_store %arg6[%swap3A_245, %swap3A_246], %swap3A_249 {strides = array<i32>} : memref<128x64xf32, #tpu.memory_space<vmem>>, vector<1x16xf32>,
      %swap3A_250 = arith.index_cast %add3A_214 : i32 to index
      %swap3A_251 = arith.constant 48 : index
      %swap3A_252 = tpu.vector_load %arg6[%swap3A_250, %swap3A_251] {strides = array<i32>} : memref<128x64xf32, #tpu.memory_space<vmem>>, vector<1x16xf32>,
      %swap3A_253 = vector.shape_cast %swap3A_252 : vector<1x16xf32> to vector<16xf32>
      %swap3A_254 = vector.shape_cast %scan3A_233#3 : vector<16xf32> to vector<1x16xf32>
      tpu.vector_store %arg6[%swap3A_250, %swap3A_251], %swap3A_254 {strides = array<i32>} : memref<128x64xf32, #tpu.memory_space<vmem>>, vector<1x16xf32>,
      %add3A_255 = arith.constant 8 : i32
      %add3A_256 = arith.addi %add3A_214, %add3A_255 : i32
      %lt3A_257 = arith.constant 128 : i32
      %lt3A_258 = arith.cmpi slt, %add3A_256, %lt3A_257 : i32
      %convert_element_type3A_259 = arith.extui %lt3A_258 : i1 to i32
      %cond3A_260 = arith.constant 0 : i32
      %cond3A_261 = arith.cmpi ne, %convert_element_type3A_259, %cond3A_260 : i32
      scf.if %cond3A_261 {
        %add3A_466 = arith.constant 8 : i32
        %add3A_467 = arith.addi %add3A_214, %add3A_466 : i32
        %dma_start3A_468 = arith.constant 0 : i32
        %dma_start3A_469 = tpu.memref_slice %arg5[%add3A_467, %dma_start3A_468] : memref<128x50xi32, #tpu.memory_space<vmem>> -> memref<1x50xi32, #tpu.memory_space<vmem>>
        %dma_start3A_470 = tpu.memref_squeeze %dma_start3A_469 : memref<1x50xi32, #tpu.memory_space<vmem>> -> memref<50xi32, #tpu.memory_space<vmem>>
        %dma_start3A_471 = arith.constant 0 : i32
        %dma_start3A_472 = arith.constant 0 : i32
        %dma_start3A_473 = tpu.memref_slice %arg3[%dma_start3A_471, %dma_start3A_472] : memref<1048576x64xf32, #tpu.memory_space<hbm>> -> memref<1048576x64xf32, #tpu.memory_space<hbm>>
        tpu.enqueue_indirect_dma source(%dma_start3A_473 : memref<1048576x64xf32, #tpu.memory_space<hbm>>) target(%arg10 : memref<50x64xf32, #tpu.memory_space<vmem>>) offsets(%dma_start3A_470 : memref<50xi32, #tpu.memory_space<vmem>>) semaphore(%arg18 : memref<!tpu.dma_semaphore, #tpu.memory_space<semaphore_mem>>)
      } else {
      }
      %mul3A_262 = arith.constant 8 : i32
      %mul3A_263 = arith.muli %scan3A_63, %mul3A_262 : i32
      %add3A_264 = arith.constant 4 : i32
      %add3A_265 = arith.addi %mul3A_263, %add3A_264 : i32
      %dma_wait3A_266 = arith.constant 0 : i32
      %dma_wait3A_267 = tpu.memref_slice %arg5[%add3A_265, %dma_wait3A_266] : memref<128x50xi32, #tpu.memory_space<vmem>> -> memref<1x50xi32, #tpu.memory_space<vmem>>
      %dma_wait3A_268 = tpu.memref_squeeze %dma_wait3A_267 : memref<1x50xi32, #tpu.memory_space<vmem>> -> memref<50xi32, #tpu.memory_space<vmem>>
      %dma_wait3A_269 = arith.constant 0 : i32
      %dma_wait3A_270 = arith.constant 0 : i32
      %dma_wait3A_271 = tpu.memref_slice %arg3[%dma_wait3A_269, %dma_wait3A_270] : memref<1048576x64xf32, #tpu.memory_space<hbm>> -> memref<1048576x64xf32, #tpu.memory_space<hbm>>
      tpu.wait_indirect_dma semaphore(%arg19 : memref<!tpu.dma_semaphore, #tpu.memory_space<semaphore_mem>>) src(%dma_wait3A_271 : memref<1048576x64xf32, #tpu.memory_space<hbm>>) dst(%arg11 : memref<50x64xf32, #tpu.memory_space<vmem>>)
      %broadcast_in_dim3A_272 = arith.constant 0.000000e+00 : f32
      %broadcast_in_dim3A_273 = vector.broadcast %broadcast_in_dim3A_272 : f32 to vector<16xf32>
      %broadcast_in_dim3A_274 = arith.constant 0.000000e+00 : f32
      %broadcast_in_dim3A_275 = vector.broadcast %broadcast_in_dim3A_274 : f32 to vector<16xf32>
      %broadcast_in_dim3A_276 = arith.constant 0.000000e+00 : f32
      %broadcast_in_dim3A_277 = vector.broadcast %broadcast_in_dim3A_276 : f32 to vector<16xf32>
      %broadcast_in_dim3A_278 = arith.constant 0.000000e+00 : f32
      %broadcast_in_dim3A_279 = vector.broadcast %broadcast_in_dim3A_278 : f32 to vector<16xf32>
      %scan3A_280 = arith.constant 0 : i32
      %scan3A_281 = arith.constant 25 : i32
      %scan3A_282 = arith.addi %scan3A_280, %scan3A_281 : i32
      %scan3A_283 = arith.constant 1 : i32
      %scan3A_284:4 = scf.for %scan3A_466 = %scan3A_280 to %scan3A_282 step %scan3A_283 iter_args(%scan3A_467 = %broadcast_in_dim3A_273, %scan3A_468 = %broadcast_in_dim3A_275, %scan3A_469 = %broadcast_in_dim3A_277, %scan3A_470 = %broadcast_in_dim3A_279) -> (vector<16xf32>, vector<16xf32>, vector<16xf32>, vector<16xf32>)  : i32 {
        %mul3A_471 = arith.constant 2 : i32
        %mul3A_472 = arith.muli %mul3A_471, %scan3A_466 : i32
        %get3A = arith.index_cast %mul3A_472 : i32 to index
        %get3A_473 = arith.constant 0 : index
        %get3A_474 = tpu.vector_load %arg11[%get3A, %get3A_473] {strides = array<i32>} : memref<50x64xf32, #tpu.memory_space<vmem>>, vector<1x16xf32>,
        %get3A_475 = vector.shape_cast %get3A_474 : vector<1x16xf32> to vector<16xf32>
        %add3A_476 = arith.addf %scan3A_467, %get3A_475 : vector<16xf32>
        %mul3A_477 = arith.constant 2 : i32
        %mul3A_478 = arith.muli %mul3A_477, %scan3A_466 : i32
        %add3A_479 = arith.constant 1 : i32
        %add3A_480 = arith.addi %mul3A_478, %add3A_479 : i32
        %get3A_481 = arith.index_cast %add3A_480 : i32 to index
        %get3A_482 = arith.constant 0 : index
        %get3A_483 = tpu.vector_load %arg11[%get3A_481, %get3A_482] {strides = array<i32>} : memref<50x64xf32, #tpu.memory_space<vmem>>, vector<1x16xf32>,
        %get3A_484 = vector.shape_cast %get3A_483 : vector<1x16xf32> to vector<16xf32>
        %add3A_485 = arith.addf %add3A_476, %get3A_484 : vector<16xf32>
        %mul3A_486 = arith.constant 2 : i32
        %mul3A_487 = arith.muli %mul3A_486, %scan3A_466 : i32
        %get3A_488 = arith.index_cast %mul3A_487 : i32 to index
        %get3A_489 = arith.constant 16 : index
        %get3A_490 = tpu.vector_load %arg11[%get3A_488, %get3A_489] {strides = array<i32>} : memref<50x64xf32, #tpu.memory_space<vmem>>, vector<1x16xf32>,
        %get3A_491 = vector.shape_cast %get3A_490 : vector<1x16xf32> to vector<16xf32>
        %add3A_492 = arith.addf %scan3A_468, %get3A_491 : vector<16xf32>
        %mul3A_493 = arith.constant 2 : i32
        %mul3A_494 = arith.muli %mul3A_493, %scan3A_466 : i32
        %add3A_495 = arith.constant 1 : i32
        %add3A_496 = arith.addi %mul3A_494, %add3A_495 : i32
        %get3A_497 = arith.index_cast %add3A_496 : i32 to index
        %get3A_498 = arith.constant 16 : index
        %get3A_499 = tpu.vector_load %arg11[%get3A_497, %get3A_498] {strides = array<i32>} : memref<50x64xf32, #tpu.memory_space<vmem>>, vector<1x16xf32>,
        %get3A_500 = vector.shape_cast %get3A_499 : vector<1x16xf32> to vector<16xf32>
        %add3A_501 = arith.addf %add3A_492, %get3A_500 : vector<16xf32>
        %mul3A_502 = arith.constant 2 : i32
        %mul3A_503 = arith.muli %mul3A_502, %scan3A_466 : i32
        %get3A_504 = arith.index_cast %mul3A_503 : i32 to index
        %get3A_505 = arith.constant 32 : index
        %get3A_506 = tpu.vector_load %arg11[%get3A_504, %get3A_505] {strides = array<i32>} : memref<50x64xf32, #tpu.memory_space<vmem>>, vector<1x16xf32>,
        %get3A_507 = vector.shape_cast %get3A_506 : vector<1x16xf32> to vector<16xf32>
        %add3A_508 = arith.addf %scan3A_469, %get3A_507 : vector<16xf32>
        %mul3A_509 = arith.constant 2 : i32
        %mul3A_510 = arith.muli %mul3A_509, %scan3A_466 : i32
        %add3A_511 = arith.constant 1 : i32
        %add3A_512 = arith.addi %mul3A_510, %add3A_511 : i32
        %get3A_513 = arith.index_cast %add3A_512 : i32 to index
        %get3A_514 = arith.constant 32 : index
        %get3A_515 = tpu.vector_load %arg11[%get3A_513, %get3A_514] {strides = array<i32>} : memref<50x64xf32, #tpu.memory_space<vmem>>, vector<1x16xf32>,
        %get3A_516 = vector.shape_cast %get3A_515 : vector<1x16xf32> to vector<16xf32>
        %add3A_517 = arith.addf %add3A_508, %get3A_516 : vector<16xf32>
        %mul3A_518 = arith.constant 2 : i32
        %mul3A_519 = arith.muli %mul3A_518, %scan3A_466 : i32
        %get3A_520 = arith.index_cast %mul3A_519 : i32 to index
        %get3A_521 = arith.constant 48 : index
        %get3A_522 = tpu.vector_load %arg11[%get3A_520, %get3A_521] {strides = array<i32>} : memref<50x64xf32, #tpu.memory_space<vmem>>, vector<1x16xf32>,
        %get3A_523 = vector.shape_cast %get3A_522 : vector<1x16xf32> to vector<16xf32>
        %add3A_524 = arith.addf %scan3A_470, %get3A_523 : vector<16xf32>
        %mul3A_525 = arith.constant 2 : i32
        %mul3A_526 = arith.muli %mul3A_525, %scan3A_466 : i32
        %add3A_527 = arith.constant 1 : i32
        %add3A_528 = arith.addi %mul3A_526, %add3A_527 : i32
        %get3A_529 = arith.index_cast %add3A_528 : i32 to index
        %get3A_530 = arith.constant 48 : index
        %get3A_531 = tpu.vector_load %arg11[%get3A_529, %get3A_530] {strides = array<i32>} : memref<50x64xf32, #tpu.memory_space<vmem>>, vector<1x16xf32>,
        %get3A_532 = vector.shape_cast %get3A_531 : vector<1x16xf32> to vector<16xf32>
        %add3A_533 = arith.addf %add3A_524, %get3A_532 : vector<16xf32>
        scf.yield %add3A_485, %add3A_501, %add3A_517, %add3A_533 : vector<16xf32>, vector<16xf32>, vector<16xf32>, vector<16xf32>
      }
      %scan3A_285 = arith.constant 25 : i32
      %swap3A_286 = arith.index_cast %add3A_265 : i32 to index
      %swap3A_287 = arith.constant 0 : index
      %swap3A_288 = tpu.vector_load %arg6[%swap3A_286, %swap3A_287] {strides = array<i32>} : memref<128x64xf32, #tpu.memory_space<vmem>>, vector<1x16xf32>,
      %swap3A_289 = vector.shape_cast %swap3A_288 : vector<1x16xf32> to vector<16xf32>
      %swap3A_290 = vector.shape_cast %scan3A_284#0 : vector<16xf32> to vector<1x16xf32>
      tpu.vector_store %arg6[%swap3A_286, %swap3A_287], %swap3A_290 {strides = array<i32>} : memref<128x64xf32, #tpu.memory_space<vmem>>, vector<1x16xf32>,
      %swap3A_291 = arith.index_cast %add3A_265 : i32 to index
      %swap3A_292 = arith.constant 16 : index
      %swap3A_293 = tpu.vector_load %arg6[%swap3A_291, %swap3A_292] {strides = array<i32>} : memref<128x64xf32, #tpu.memory_space<vmem>>, vector<1x16xf32>,
      %swap3A_294 = vector.shape_cast %swap3A_293 : vector<1x16xf32> to vector<16xf32>
      %swap3A_295 = vector.shape_cast %scan3A_284#1 : vector<16xf32> to vector<1x16xf32>
      tpu.vector_store %arg6[%swap3A_291, %swap3A_292], %swap3A_295 {strides = array<i32>} : memref<128x64xf32, #tpu.memory_space<vmem>>, vector<1x16xf32>,
      %swap3A_296 = arith.index_cast %add3A_265 : i32 to index
      %swap3A_297 = arith.constant 32 : index
      %swap3A_298 = tpu.vector_load %arg6[%swap3A_296, %swap3A_297] {strides = array<i32>} : memref<128x64xf32, #tpu.memory_space<vmem>>, vector<1x16xf32>,
      %swap3A_299 = vector.shape_cast %swap3A_298 : vector<1x16xf32> to vector<16xf32>
      %swap3A_300 = vector.shape_cast %scan3A_284#2 : vector<16xf32> to vector<1x16xf32>
      tpu.vector_store %arg6[%swap3A_296, %swap3A_297], %swap3A_300 {strides = array<i32>} : memref<128x64xf32, #tpu.memory_space<vmem>>, vector<1x16xf32>,
      %swap3A_301 = arith.index_cast %add3A_265 : i32 to index
      %swap3A_302 = arith.constant 48 : index
      %swap3A_303 = tpu.vector_load %arg6[%swap3A_301, %swap3A_302] {strides = array<i32>} : memref<128x64xf32, #tpu.memory_space<vmem>>, vector<1x16xf32>,
      %swap3A_304 = vector.shape_cast %swap3A_303 : vector<1x16xf32> to vector<16xf32>
      %swap3A_305 = vector.shape_cast %scan3A_284#3 : vector<16xf32> to vector<1x16xf32>
      tpu.vector_store %arg6[%swap3A_301, %swap3A_302], %swap3A_305 {strides = array<i32>} : memref<128x64xf32, #tpu.memory_space<vmem>>, vector<1x16xf32>,
      %add3A_306 = arith.constant 8 : i32
      %add3A_307 = arith.addi %add3A_265, %add3A_306 : i32
      %lt3A_308 = arith.constant 128 : i32
      %lt3A_309 = arith.cmpi slt, %add3A_307, %lt3A_308 : i32
      %convert_element_type3A_310 = arith.extui %lt3A_309 : i1 to i32
      %cond3A_311 = arith.constant 0 : i32
      %cond3A_312 = arith.cmpi ne, %convert_element_type3A_310, %cond3A_311 : i32
      scf.if %cond3A_312 {
        %add3A_466 = arith.constant 8 : i32
        %add3A_467 = arith.addi %add3A_265, %add3A_466 : i32
        %dma_start3A_468 = arith.constant 0 : i32
        %dma_start3A_469 = tpu.memref_slice %arg5[%add3A_467, %dma_start3A_468] : memref<128x50xi32, #tpu.memory_space<vmem>> -> memref<1x50xi32, #tpu.memory_space<vmem>>
        %dma_start3A_470 = tpu.memref_squeeze %dma_start3A_469 : memref<1x50xi32, #tpu.memory_space<vmem>> -> memref<50xi32, #tpu.memory_space<vmem>>
        %dma_start3A_471 = arith.constant 0 : i32
        %dma_start3A_472 = arith.constant 0 : i32
        %dma_start3A_473 = tpu.memref_slice %arg3[%dma_start3A_471, %dma_start3A_472] : memref<1048576x64xf32, #tpu.memory_space<hbm>> -> memref<1048576x64xf32, #tpu.memory_space<hbm>>
        tpu.enqueue_indirect_dma source(%dma_start3A_473 : memref<1048576x64xf32, #tpu.memory_space<hbm>>) target(%arg11 : memref<50x64xf32, #tpu.memory_space<vmem>>) offsets(%dma_start3A_470 : memref<50xi32, #tpu.memory_space<vmem>>) semaphore(%arg19 : memref<!tpu.dma_semaphore, #tpu.memory_space<semaphore_mem>>)
      } else {
      }
      %mul3A_313 = arith.constant 8 : i32
      %mul3A_314 = arith.muli %scan3A_63, %mul3A_313 : i32
      %add3A_315 = arith.constant 5 : i32
      %add3A_316 = arith.addi %mul3A_314, %add3A_315 : i32
      %dma_wait3A_317 = arith.constant 0 : i32
      %dma_wait3A_318 = tpu.memref_slice %arg5[%add3A_316, %dma_wait3A_317] : memref<128x50xi32, #tpu.memory_space<vmem>> -> memref<1x50xi32, #tpu.memory_space<vmem>>
      %dma_wait3A_319 = tpu.memref_squeeze %dma_wait3A_318 : memref<1x50xi32, #tpu.memory_space<vmem>> -> memref<50xi32, #tpu.memory_space<vmem>>
      %dma_wait3A_320 = arith.constant 0 : i32
      %dma_wait3A_321 = arith.constant 0 : i32
      %dma_wait3A_322 = tpu.memref_slice %arg3[%dma_wait3A_320, %dma_wait3A_321] : memref<1048576x64xf32, #tpu.memory_space<hbm>> -> memref<1048576x64xf32, #tpu.memory_space<hbm>>
      tpu.wait_indirect_dma semaphore(%arg20 : memref<!tpu.dma_semaphore, #tpu.memory_space<semaphore_mem>>) src(%dma_wait3A_322 : memref<1048576x64xf32, #tpu.memory_space<hbm>>) dst(%arg12 : memref<50x64xf32, #tpu.memory_space<vmem>>)
      %broadcast_in_dim3A_323 = arith.constant 0.000000e+00 : f32
      %broadcast_in_dim3A_324 = vector.broadcast %broadcast_in_dim3A_323 : f32 to vector<16xf32>
      %broadcast_in_dim3A_325 = arith.constant 0.000000e+00 : f32
      %broadcast_in_dim3A_326 = vector.broadcast %broadcast_in_dim3A_325 : f32 to vector<16xf32>
      %broadcast_in_dim3A_327 = arith.constant 0.000000e+00 : f32
      %broadcast_in_dim3A_328 = vector.broadcast %broadcast_in_dim3A_327 : f32 to vector<16xf32>
      %broadcast_in_dim3A_329 = arith.constant 0.000000e+00 : f32
      %broadcast_in_dim3A_330 = vector.broadcast %broadcast_in_dim3A_329 : f32 to vector<16xf32>
      %scan3A_331 = arith.constant 0 : i32
      %scan3A_332 = arith.constant 25 : i32
      %scan3A_333 = arith.addi %scan3A_331, %scan3A_332 : i32
      %scan3A_334 = arith.constant 1 : i32
      %scan3A_335:4 = scf.for %scan3A_466 = %scan3A_331 to %scan3A_333 step %scan3A_334 iter_args(%scan3A_467 = %broadcast_in_dim3A_324, %scan3A_468 = %broadcast_in_dim3A_326, %scan3A_469 = %broadcast_in_dim3A_328, %scan3A_470 = %broadcast_in_dim3A_330) -> (vector<16xf32>, vector<16xf32>, vector<16xf32>, vector<16xf32>)  : i32 {
        %mul3A_471 = arith.constant 2 : i32
        %mul3A_472 = arith.muli %mul3A_471, %scan3A_466 : i32
        %get3A = arith.index_cast %mul3A_472 : i32 to index
        %get3A_473 = arith.constant 0 : index
        %get3A_474 = tpu.vector_load %arg12[%get3A, %get3A_473] {strides = array<i32>} : memref<50x64xf32, #tpu.memory_space<vmem>>, vector<1x16xf32>,
        %get3A_475 = vector.shape_cast %get3A_474 : vector<1x16xf32> to vector<16xf32>
        %add3A_476 = arith.addf %scan3A_467, %get3A_475 : vector<16xf32>
        %mul3A_477 = arith.constant 2 : i32
        %mul3A_478 = arith.muli %mul3A_477, %scan3A_466 : i32
        %add3A_479 = arith.constant 1 : i32
        %add3A_480 = arith.addi %mul3A_478, %add3A_479 : i32
        %get3A_481 = arith.index_cast %add3A_480 : i32 to index
        %get3A_482 = arith.constant 0 : index
        %get3A_483 = tpu.vector_load %arg12[%get3A_481, %get3A_482] {strides = array<i32>} : memref<50x64xf32, #tpu.memory_space<vmem>>, vector<1x16xf32>,
        %get3A_484 = vector.shape_cast %get3A_483 : vector<1x16xf32> to vector<16xf32>
        %add3A_485 = arith.addf %add3A_476, %get3A_484 : vector<16xf32>
        %mul3A_486 = arith.constant 2 : i32
        %mul3A_487 = arith.muli %mul3A_486, %scan3A_466 : i32
        %get3A_488 = arith.index_cast %mul3A_487 : i32 to index
        %get3A_489 = arith.constant 16 : index
        %get3A_490 = tpu.vector_load %arg12[%get3A_488, %get3A_489] {strides = array<i32>} : memref<50x64xf32, #tpu.memory_space<vmem>>, vector<1x16xf32>,
        %get3A_491 = vector.shape_cast %get3A_490 : vector<1x16xf32> to vector<16xf32>
        %add3A_492 = arith.addf %scan3A_468, %get3A_491 : vector<16xf32>
        %mul3A_493 = arith.constant 2 : i32
        %mul3A_494 = arith.muli %mul3A_493, %scan3A_466 : i32
        %add3A_495 = arith.constant 1 : i32
        %add3A_496 = arith.addi %mul3A_494, %add3A_495 : i32
        %get3A_497 = arith.index_cast %add3A_496 : i32 to index
        %get3A_498 = arith.constant 16 : index
        %get3A_499 = tpu.vector_load %arg12[%get3A_497, %get3A_498] {strides = array<i32>} : memref<50x64xf32, #tpu.memory_space<vmem>>, vector<1x16xf32>,
        %get3A_500 = vector.shape_cast %get3A_499 : vector<1x16xf32> to vector<16xf32>
        %add3A_501 = arith.addf %add3A_492, %get3A_500 : vector<16xf32>
        %mul3A_502 = arith.constant 2 : i32
        %mul3A_503 = arith.muli %mul3A_502, %scan3A_466 : i32
        %get3A_504 = arith.index_cast %mul3A_503 : i32 to index
        %get3A_505 = arith.constant 32 : index
        %get3A_506 = tpu.vector_load %arg12[%get3A_504, %get3A_505] {strides = array<i32>} : memref<50x64xf32, #tpu.memory_space<vmem>>, vector<1x16xf32>,
        %get3A_507 = vector.shape_cast %get3A_506 : vector<1x16xf32> to vector<16xf32>
        %add3A_508 = arith.addf %scan3A_469, %get3A_507 : vector<16xf32>
        %mul3A_509 = arith.constant 2 : i32
        %mul3A_510 = arith.muli %mul3A_509, %scan3A_466 : i32
        %add3A_511 = arith.constant 1 : i32
        %add3A_512 = arith.addi %mul3A_510, %add3A_511 : i32
        %get3A_513 = arith.index_cast %add3A_512 : i32 to index
        %get3A_514 = arith.constant 32 : index
        %get3A_515 = tpu.vector_load %arg12[%get3A_513, %get3A_514] {strides = array<i32>} : memref<50x64xf32, #tpu.memory_space<vmem>>, vector<1x16xf32>,
        %get3A_516 = vector.shape_cast %get3A_515 : vector<1x16xf32> to vector<16xf32>
        %add3A_517 = arith.addf %add3A_508, %get3A_516 : vector<16xf32>
        %mul3A_518 = arith.constant 2 : i32
        %mul3A_519 = arith.muli %mul3A_518, %scan3A_466 : i32
        %get3A_520 = arith.index_cast %mul3A_519 : i32 to index
        %get3A_521 = arith.constant 48 : index
        %get3A_522 = tpu.vector_load %arg12[%get3A_520, %get3A_521] {strides = array<i32>} : memref<50x64xf32, #tpu.memory_space<vmem>>, vector<1x16xf32>,
        %get3A_523 = vector.shape_cast %get3A_522 : vector<1x16xf32> to vector<16xf32>
        %add3A_524 = arith.addf %scan3A_470, %get3A_523 : vector<16xf32>
        %mul3A_525 = arith.constant 2 : i32
        %mul3A_526 = arith.muli %mul3A_525, %scan3A_466 : i32
        %add3A_527 = arith.constant 1 : i32
        %add3A_528 = arith.addi %mul3A_526, %add3A_527 : i32
        %get3A_529 = arith.index_cast %add3A_528 : i32 to index
        %get3A_530 = arith.constant 48 : index
        %get3A_531 = tpu.vector_load %arg12[%get3A_529, %get3A_530] {strides = array<i32>} : memref<50x64xf32, #tpu.memory_space<vmem>>, vector<1x16xf32>,
        %get3A_532 = vector.shape_cast %get3A_531 : vector<1x16xf32> to vector<16xf32>
        %add3A_533 = arith.addf %add3A_524, %get3A_532 : vector<16xf32>
        scf.yield %add3A_485, %add3A_501, %add3A_517, %add3A_533 : vector<16xf32>, vector<16xf32>, vector<16xf32>, vector<16xf32>
      }
      %scan3A_336 = arith.constant 25 : i32
      %swap3A_337 = arith.index_cast %add3A_316 : i32 to index
      %swap3A_338 = arith.constant 0 : index
      %swap3A_339 = tpu.vector_load %arg6[%swap3A_337, %swap3A_338] {strides = array<i32>} : memref<128x64xf32, #tpu.memory_space<vmem>>, vector<1x16xf32>,
      %swap3A_340 = vector.shape_cast %swap3A_339 : vector<1x16xf32> to vector<16xf32>
      %swap3A_341 = vector.shape_cast %scan3A_335#0 : vector<16xf32> to vector<1x16xf32>
      tpu.vector_store %arg6[%swap3A_337, %swap3A_338], %swap3A_341 {strides = array<i32>} : memref<128x64xf32, #tpu.memory_space<vmem>>, vector<1x16xf32>,
      %swap3A_342 = arith.index_cast %add3A_316 : i32 to index
      %swap3A_343 = arith.constant 16 : index
      %swap3A_344 = tpu.vector_load %arg6[%swap3A_342, %swap3A_343] {strides = array<i32>} : memref<128x64xf32, #tpu.memory_space<vmem>>, vector<1x16xf32>,
      %swap3A_345 = vector.shape_cast %swap3A_344 : vector<1x16xf32> to vector<16xf32>
      %swap3A_346 = vector.shape_cast %scan3A_335#1 : vector<16xf32> to vector<1x16xf32>
      tpu.vector_store %arg6[%swap3A_342, %swap3A_343], %swap3A_346 {strides = array<i32>} : memref<128x64xf32, #tpu.memory_space<vmem>>, vector<1x16xf32>,
      %swap3A_347 = arith.index_cast %add3A_316 : i32 to index
      %swap3A_348 = arith.constant 32 : index
      %swap3A_349 = tpu.vector_load %arg6[%swap3A_347, %swap3A_348] {strides = array<i32>} : memref<128x64xf32, #tpu.memory_space<vmem>>, vector<1x16xf32>,
      %swap3A_350 = vector.shape_cast %swap3A_349 : vector<1x16xf32> to vector<16xf32>
      %swap3A_351 = vector.shape_cast %scan3A_335#2 : vector<16xf32> to vector<1x16xf32>
      tpu.vector_store %arg6[%swap3A_347, %swap3A_348], %swap3A_351 {strides = array<i32>} : memref<128x64xf32, #tpu.memory_space<vmem>>, vector<1x16xf32>,
      %swap3A_352 = arith.index_cast %add3A_316 : i32 to index
      %swap3A_353 = arith.constant 48 : index
      %swap3A_354 = tpu.vector_load %arg6[%swap3A_352, %swap3A_353] {strides = array<i32>} : memref<128x64xf32, #tpu.memory_space<vmem>>, vector<1x16xf32>,
      %swap3A_355 = vector.shape_cast %swap3A_354 : vector<1x16xf32> to vector<16xf32>
      %swap3A_356 = vector.shape_cast %scan3A_335#3 : vector<16xf32> to vector<1x16xf32>
      tpu.vector_store %arg6[%swap3A_352, %swap3A_353], %swap3A_356 {strides = array<i32>} : memref<128x64xf32, #tpu.memory_space<vmem>>, vector<1x16xf32>,
      %add3A_357 = arith.constant 8 : i32
      %add3A_358 = arith.addi %add3A_316, %add3A_357 : i32
      %lt3A_359 = arith.constant 128 : i32
      %lt3A_360 = arith.cmpi slt, %add3A_358, %lt3A_359 : i32
      %convert_element_type3A_361 = arith.extui %lt3A_360 : i1 to i32
      %cond3A_362 = arith.constant 0 : i32
      %cond3A_363 = arith.cmpi ne, %convert_element_type3A_361, %cond3A_362 : i32
      scf.if %cond3A_363 {
        %add3A_466 = arith.constant 8 : i32
        %add3A_467 = arith.addi %add3A_316, %add3A_466 : i32
        %dma_start3A_468 = arith.constant 0 : i32
        %dma_start3A_469 = tpu.memref_slice %arg5[%add3A_467, %dma_start3A_468] : memref<128x50xi32, #tpu.memory_space<vmem>> -> memref<1x50xi32, #tpu.memory_space<vmem>>
        %dma_start3A_470 = tpu.memref_squeeze %dma_start3A_469 : memref<1x50xi32, #tpu.memory_space<vmem>> -> memref<50xi32, #tpu.memory_space<vmem>>
        %dma_start3A_471 = arith.constant 0 : i32
        %dma_start3A_472 = arith.constant 0 : i32
        %dma_start3A_473 = tpu.memref_slice %arg3[%dma_start3A_471, %dma_start3A_472] : memref<1048576x64xf32, #tpu.memory_space<hbm>> -> memref<1048576x64xf32, #tpu.memory_space<hbm>>
        tpu.enqueue_indirect_dma source(%dma_start3A_473 : memref<1048576x64xf32, #tpu.memory_space<hbm>>) target(%arg12 : memref<50x64xf32, #tpu.memory_space<vmem>>) offsets(%dma_start3A_470 : memref<50xi32, #tpu.memory_space<vmem>>) semaphore(%arg20 : memref<!tpu.dma_semaphore, #tpu.memory_space<semaphore_mem>>)
      } else {
      }
      %mul3A_364 = arith.constant 8 : i32
      %mul3A_365 = arith.muli %scan3A_63, %mul3A_364 : i32
      %add3A_366 = arith.constant 6 : i32
      %add3A_367 = arith.addi %mul3A_365, %add3A_366 : i32
      %dma_wait3A_368 = arith.constant 0 : i32
      %dma_wait3A_369 = tpu.memref_slice %arg5[%add3A_367, %dma_wait3A_368] : memref<128x50xi32, #tpu.memory_space<vmem>> -> memref<1x50xi32, #tpu.memory_space<vmem>>
      %dma_wait3A_370 = tpu.memref_squeeze %dma_wait3A_369 : memref<1x50xi32, #tpu.memory_space<vmem>> -> memref<50xi32, #tpu.memory_space<vmem>>
      %dma_wait3A_371 = arith.constant 0 : i32
      %dma_wait3A_372 = arith.constant 0 : i32
      %dma_wait3A_373 = tpu.memref_slice %arg3[%dma_wait3A_371, %dma_wait3A_372] : memref<1048576x64xf32, #tpu.memory_space<hbm>> -> memref<1048576x64xf32, #tpu.memory_space<hbm>>
      tpu.wait_indirect_dma semaphore(%arg21 : memref<!tpu.dma_semaphore, #tpu.memory_space<semaphore_mem>>) src(%dma_wait3A_373 : memref<1048576x64xf32, #tpu.memory_space<hbm>>) dst(%arg13 : memref<50x64xf32, #tpu.memory_space<vmem>>)
      %broadcast_in_dim3A_374 = arith.constant 0.000000e+00 : f32
      %broadcast_in_dim3A_375 = vector.broadcast %broadcast_in_dim3A_374 : f32 to vector<16xf32>
      %broadcast_in_dim3A_376 = arith.constant 0.000000e+00 : f32
      %broadcast_in_dim3A_377 = vector.broadcast %broadcast_in_dim3A_376 : f32 to vector<16xf32>
      %broadcast_in_dim3A_378 = arith.constant 0.000000e+00 : f32
      %broadcast_in_dim3A_379 = vector.broadcast %broadcast_in_dim3A_378 : f32 to vector<16xf32>
      %broadcast_in_dim3A_380 = arith.constant 0.000000e+00 : f32
      %broadcast_in_dim3A_381 = vector.broadcast %broadcast_in_dim3A_380 : f32 to vector<16xf32>
      %scan3A_382 = arith.constant 0 : i32
      %scan3A_383 = arith.constant 25 : i32
      %scan3A_384 = arith.addi %scan3A_382, %scan3A_383 : i32
      %scan3A_385 = arith.constant 1 : i32
      %scan3A_386:4 = scf.for %scan3A_466 = %scan3A_382 to %scan3A_384 step %scan3A_385 iter_args(%scan3A_467 = %broadcast_in_dim3A_375, %scan3A_468 = %broadcast_in_dim3A_377, %scan3A_469 = %broadcast_in_dim3A_379, %scan3A_470 = %broadcast_in_dim3A_381) -> (vector<16xf32>, vector<16xf32>, vector<16xf32>, vector<16xf32>)  : i32 {
        %mul3A_471 = arith.constant 2 : i32
        %mul3A_472 = arith.muli %mul3A_471, %scan3A_466 : i32
        %get3A = arith.index_cast %mul3A_472 : i32 to index
        %get3A_473 = arith.constant 0 : index
        %get3A_474 = tpu.vector_load %arg13[%get3A, %get3A_473] {strides = array<i32>} : memref<50x64xf32, #tpu.memory_space<vmem>>, vector<1x16xf32>,
        %get3A_475 = vector.shape_cast %get3A_474 : vector<1x16xf32> to vector<16xf32>
        %add3A_476 = arith.addf %scan3A_467, %get3A_475 : vector<16xf32>
        %mul3A_477 = arith.constant 2 : i32
        %mul3A_478 = arith.muli %mul3A_477, %scan3A_466 : i32
        %add3A_479 = arith.constant 1 : i32
        %add3A_480 = arith.addi %mul3A_478, %add3A_479 : i32
        %get3A_481 = arith.index_cast %add3A_480 : i32 to index
        %get3A_482 = arith.constant 0 : index
        %get3A_483 = tpu.vector_load %arg13[%get3A_481, %get3A_482] {strides = array<i32>} : memref<50x64xf32, #tpu.memory_space<vmem>>, vector<1x16xf32>,
        %get3A_484 = vector.shape_cast %get3A_483 : vector<1x16xf32> to vector<16xf32>
        %add3A_485 = arith.addf %add3A_476, %get3A_484 : vector<16xf32>
        %mul3A_486 = arith.constant 2 : i32
        %mul3A_487 = arith.muli %mul3A_486, %scan3A_466 : i32
        %get3A_488 = arith.index_cast %mul3A_487 : i32 to index
        %get3A_489 = arith.constant 16 : index
        %get3A_490 = tpu.vector_load %arg13[%get3A_488, %get3A_489] {strides = array<i32>} : memref<50x64xf32, #tpu.memory_space<vmem>>, vector<1x16xf32>,
        %get3A_491 = vector.shape_cast %get3A_490 : vector<1x16xf32> to vector<16xf32>
        %add3A_492 = arith.addf %scan3A_468, %get3A_491 : vector<16xf32>
        %mul3A_493 = arith.constant 2 : i32
        %mul3A_494 = arith.muli %mul3A_493, %scan3A_466 : i32
        %add3A_495 = arith.constant 1 : i32
        %add3A_496 = arith.addi %mul3A_494, %add3A_495 : i32
        %get3A_497 = arith.index_cast %add3A_496 : i32 to index
        %get3A_498 = arith.constant 16 : index
        %get3A_499 = tpu.vector_load %arg13[%get3A_497, %get3A_498] {strides = array<i32>} : memref<50x64xf32, #tpu.memory_space<vmem>>, vector<1x16xf32>,
        %get3A_500 = vector.shape_cast %get3A_499 : vector<1x16xf32> to vector<16xf32>
        %add3A_501 = arith.addf %add3A_492, %get3A_500 : vector<16xf32>
        %mul3A_502 = arith.constant 2 : i32
        %mul3A_503 = arith.muli %mul3A_502, %scan3A_466 : i32
        %get3A_504 = arith.index_cast %mul3A_503 : i32 to index
        %get3A_505 = arith.constant 32 : index
        %get3A_506 = tpu.vector_load %arg13[%get3A_504, %get3A_505] {strides = array<i32>} : memref<50x64xf32, #tpu.memory_space<vmem>>, vector<1x16xf32>,
        %get3A_507 = vector.shape_cast %get3A_506 : vector<1x16xf32> to vector<16xf32>
        %add3A_508 = arith.addf %scan3A_469, %get3A_507 : vector<16xf32>
        %mul3A_509 = arith.constant 2 : i32
        %mul3A_510 = arith.muli %mul3A_509, %scan3A_466 : i32
        %add3A_511 = arith.constant 1 : i32
        %add3A_512 = arith.addi %mul3A_510, %add3A_511 : i32
        %get3A_513 = arith.index_cast %add3A_512 : i32 to index
        %get3A_514 = arith.constant 32 : index
        %get3A_515 = tpu.vector_load %arg13[%get3A_513, %get3A_514] {strides = array<i32>} : memref<50x64xf32, #tpu.memory_space<vmem>>, vector<1x16xf32>,
        %get3A_516 = vector.shape_cast %get3A_515 : vector<1x16xf32> to vector<16xf32>
        %add3A_517 = arith.addf %add3A_508, %get3A_516 : vector<16xf32>
        %mul3A_518 = arith.constant 2 : i32
        %mul3A_519 = arith.muli %mul3A_518, %scan3A_466 : i32
        %get3A_520 = arith.index_cast %mul3A_519 : i32 to index
        %get3A_521 = arith.constant 48 : index
        %get3A_522 = tpu.vector_load %arg13[%get3A_520, %get3A_521] {strides = array<i32>} : memref<50x64xf32, #tpu.memory_space<vmem>>, vector<1x16xf32>,
        %get3A_523 = vector.shape_cast %get3A_522 : vector<1x16xf32> to vector<16xf32>
        %add3A_524 = arith.addf %scan3A_470, %get3A_523 : vector<16xf32>
        %mul3A_525 = arith.constant 2 : i32
        %mul3A_526 = arith.muli %mul3A_525, %scan3A_466 : i32
        %add3A_527 = arith.constant 1 : i32
        %add3A_528 = arith.addi %mul3A_526, %add3A_527 : i32
        %get3A_529 = arith.index_cast %add3A_528 : i32 to index
        %get3A_530 = arith.constant 48 : index
        %get3A_531 = tpu.vector_load %arg13[%get3A_529, %get3A_530] {strides = array<i32>} : memref<50x64xf32, #tpu.memory_space<vmem>>, vector<1x16xf32>,
        %get3A_532 = vector.shape_cast %get3A_531 : vector<1x16xf32> to vector<16xf32>
        %add3A_533 = arith.addf %add3A_524, %get3A_532 : vector<16xf32>
        scf.yield %add3A_485, %add3A_501, %add3A_517, %add3A_533 : vector<16xf32>, vector<16xf32>, vector<16xf32>, vector<16xf32>
      }
      %scan3A_387 = arith.constant 25 : i32
      %swap3A_388 = arith.index_cast %add3A_367 : i32 to index
      %swap3A_389 = arith.constant 0 : index
      %swap3A_390 = tpu.vector_load %arg6[%swap3A_388, %swap3A_389] {strides = array<i32>} : memref<128x64xf32, #tpu.memory_space<vmem>>, vector<1x16xf32>,
      %swap3A_391 = vector.shape_cast %swap3A_390 : vector<1x16xf32> to vector<16xf32>
      %swap3A_392 = vector.shape_cast %scan3A_386#0 : vector<16xf32> to vector<1x16xf32>
      tpu.vector_store %arg6[%swap3A_388, %swap3A_389], %swap3A_392 {strides = array<i32>} : memref<128x64xf32, #tpu.memory_space<vmem>>, vector<1x16xf32>,
      %swap3A_393 = arith.index_cast %add3A_367 : i32 to index
      %swap3A_394 = arith.constant 16 : index
      %swap3A_395 = tpu.vector_load %arg6[%swap3A_393, %swap3A_394] {strides = array<i32>} : memref<128x64xf32, #tpu.memory_space<vmem>>, vector<1x16xf32>,
      %swap3A_396 = vector.shape_cast %swap3A_395 : vector<1x16xf32> to vector<16xf32>
      %swap3A_397 = vector.shape_cast %scan3A_386#1 : vector<16xf32> to vector<1x16xf32>
      tpu.vector_store %arg6[%swap3A_393, %swap3A_394], %swap3A_397 {strides = array<i32>} : memref<128x64xf32, #tpu.memory_space<vmem>>, vector<1x16xf32>,
      %swap3A_398 = arith.index_cast %add3A_367 : i32 to index
      %swap3A_399 = arith.constant 32 : index
      %swap3A_400 = tpu.vector_load %arg6[%swap3A_398, %swap3A_399] {strides = array<i32>} : memref<128x64xf32, #tpu.memory_space<vmem>>, vector<1x16xf32>,
      %swap3A_401 = vector.shape_cast %swap3A_400 : vector<1x16xf32> to vector<16xf32>
      %swap3A_402 = vector.shape_cast %scan3A_386#2 : vector<16xf32> to vector<1x16xf32>
      tpu.vector_store %arg6[%swap3A_398, %swap3A_399], %swap3A_402 {strides = array<i32>} : memref<128x64xf32, #tpu.memory_space<vmem>>, vector<1x16xf32>,
      %swap3A_403 = arith.index_cast %add3A_367 : i32 to index
      %swap3A_404 = arith.constant 48 : index
      %swap3A_405 = tpu.vector_load %arg6[%swap3A_403, %swap3A_404] {strides = array<i32>} : memref<128x64xf32, #tpu.memory_space<vmem>>, vector<1x16xf32>,
      %swap3A_406 = vector.shape_cast %swap3A_405 : vector<1x16xf32> to vector<16xf32>
      %swap3A_407 = vector.shape_cast %scan3A_386#3 : vector<16xf32> to vector<1x16xf32>
      tpu.vector_store %arg6[%swap3A_403, %swap3A_404], %swap3A_407 {strides = array<i32>} : memref<128x64xf32, #tpu.memory_space<vmem>>, vector<1x16xf32>,
      %add3A_408 = arith.constant 8 : i32
      %add3A_409 = arith.addi %add3A_367, %add3A_408 : i32
      %lt3A_410 = arith.constant 128 : i32
      %lt3A_411 = arith.cmpi slt, %add3A_409, %lt3A_410 : i32
      %convert_element_type3A_412 = arith.extui %lt3A_411 : i1 to i32
      %cond3A_413 = arith.constant 0 : i32
      %cond3A_414 = arith.cmpi ne, %convert_element_type3A_412, %cond3A_413 : i32
      scf.if %cond3A_414 {
        %add3A_466 = arith.constant 8 : i32
        %add3A_467 = arith.addi %add3A_367, %add3A_466 : i32
        %dma_start3A_468 = arith.constant 0 : i32
        %dma_start3A_469 = tpu.memref_slice %arg5[%add3A_467, %dma_start3A_468] : memref<128x50xi32, #tpu.memory_space<vmem>> -> memref<1x50xi32, #tpu.memory_space<vmem>>
        %dma_start3A_470 = tpu.memref_squeeze %dma_start3A_469 : memref<1x50xi32, #tpu.memory_space<vmem>> -> memref<50xi32, #tpu.memory_space<vmem>>
        %dma_start3A_471 = arith.constant 0 : i32
        %dma_start3A_472 = arith.constant 0 : i32
        %dma_start3A_473 = tpu.memref_slice %arg3[%dma_start3A_471, %dma_start3A_472] : memref<1048576x64xf32, #tpu.memory_space<hbm>> -> memref<1048576x64xf32, #tpu.memory_space<hbm>>
        tpu.enqueue_indirect_dma source(%dma_start3A_473 : memref<1048576x64xf32, #tpu.memory_space<hbm>>) target(%arg13 : memref<50x64xf32, #tpu.memory_space<vmem>>) offsets(%dma_start3A_470 : memref<50xi32, #tpu.memory_space<vmem>>) semaphore(%arg21 : memref<!tpu.dma_semaphore, #tpu.memory_space<semaphore_mem>>)
      } else {
      }
      %mul3A_415 = arith.constant 8 : i32
      %mul3A_416 = arith.muli %scan3A_63, %mul3A_415 : i32
      %add3A_417 = arith.constant 7 : i32
      %add3A_418 = arith.addi %mul3A_416, %add3A_417 : i32
      %dma_wait3A_419 = arith.constant 0 : i32
      %dma_wait3A_420 = tpu.memref_slice %arg5[%add3A_418, %dma_wait3A_419] : memref<128x50xi32, #tpu.memory_space<vmem>> -> memref<1x50xi32, #tpu.memory_space<vmem>>
      %dma_wait3A_421 = tpu.memref_squeeze %dma_wait3A_420 : memref<1x50xi32, #tpu.memory_space<vmem>> -> memref<50xi32, #tpu.memory_space<vmem>>
      %dma_wait3A_422 = arith.constant 0 : i32
      %dma_wait3A_423 = arith.constant 0 : i32
      %dma_wait3A_424 = tpu.memref_slice %arg3[%dma_wait3A_422, %dma_wait3A_423] : memref<1048576x64xf32, #tpu.memory_space<hbm>> -> memref<1048576x64xf32, #tpu.memory_space<hbm>>
      tpu.wait_indirect_dma semaphore(%arg22 : memref<!tpu.dma_semaphore, #tpu.memory_space<semaphore_mem>>) src(%dma_wait3A_424 : memref<1048576x64xf32, #tpu.memory_space<hbm>>) dst(%arg14 : memref<50x64xf32, #tpu.memory_space<vmem>>)
      %broadcast_in_dim3A_425 = arith.constant 0.000000e+00 : f32
      %broadcast_in_dim3A_426 = vector.broadcast %broadcast_in_dim3A_425 : f32 to vector<16xf32>
      %broadcast_in_dim3A_427 = arith.constant 0.000000e+00 : f32
      %broadcast_in_dim3A_428 = vector.broadcast %broadcast_in_dim3A_427 : f32 to vector<16xf32>
      %broadcast_in_dim3A_429 = arith.constant 0.000000e+00 : f32
      %broadcast_in_dim3A_430 = vector.broadcast %broadcast_in_dim3A_429 : f32 to vector<16xf32>
      %broadcast_in_dim3A_431 = arith.constant 0.000000e+00 : f32
      %broadcast_in_dim3A_432 = vector.broadcast %broadcast_in_dim3A_431 : f32 to vector<16xf32>
      %scan3A_433 = arith.constant 0 : i32
      %scan3A_434 = arith.constant 25 : i32
      %scan3A_435 = arith.addi %scan3A_433, %scan3A_434 : i32
      %scan3A_436 = arith.constant 1 : i32
      %scan3A_437:4 = scf.for %scan3A_466 = %scan3A_433 to %scan3A_435 step %scan3A_436 iter_args(%scan3A_467 = %broadcast_in_dim3A_426, %scan3A_468 = %broadcast_in_dim3A_428, %scan3A_469 = %broadcast_in_dim3A_430, %scan3A_470 = %broadcast_in_dim3A_432) -> (vector<16xf32>, vector<16xf32>, vector<16xf32>, vector<16xf32>)  : i32 {
        %mul3A_471 = arith.constant 2 : i32
        %mul3A_472 = arith.muli %mul3A_471, %scan3A_466 : i32
        %get3A = arith.index_cast %mul3A_472 : i32 to index
        %get3A_473 = arith.constant 0 : index
        %get3A_474 = tpu.vector_load %arg14[%get3A, %get3A_473] {strides = array<i32>} : memref<50x64xf32, #tpu.memory_space<vmem>>, vector<1x16xf32>,
        %get3A_475 = vector.shape_cast %get3A_474 : vector<1x16xf32> to vector<16xf32>
        %add3A_476 = arith.addf %scan3A_467, %get3A_475 : vector<16xf32>
        %mul3A_477 = arith.constant 2 : i32
        %mul3A_478 = arith.muli %mul3A_477, %scan3A_466 : i32
        %add3A_479 = arith.constant 1 : i32
        %add3A_480 = arith.addi %mul3A_478, %add3A_479 : i32
        %get3A_481 = arith.index_cast %add3A_480 : i32 to index
        %get3A_482 = arith.constant 0 : index
        %get3A_483 = tpu.vector_load %arg14[%get3A_481, %get3A_482] {strides = array<i32>} : memref<50x64xf32, #tpu.memory_space<vmem>>, vector<1x16xf32>,
        %get3A_484 = vector.shape_cast %get3A_483 : vector<1x16xf32> to vector<16xf32>
        %add3A_485 = arith.addf %add3A_476, %get3A_484 : vector<16xf32>
        %mul3A_486 = arith.constant 2 : i32
        %mul3A_487 = arith.muli %mul3A_486, %scan3A_466 : i32
        %get3A_488 = arith.index_cast %mul3A_487 : i32 to index
        %get3A_489 = arith.constant 16 : index
        %get3A_490 = tpu.vector_load %arg14[%get3A_488, %get3A_489] {strides = array<i32>} : memref<50x64xf32, #tpu.memory_space<vmem>>, vector<1x16xf32>,
        %get3A_491 = vector.shape_cast %get3A_490 : vector<1x16xf32> to vector<16xf32>
        %add3A_492 = arith.addf %scan3A_468, %get3A_491 : vector<16xf32>
        %mul3A_493 = arith.constant 2 : i32
        %mul3A_494 = arith.muli %mul3A_493, %scan3A_466 : i32
        %add3A_495 = arith.constant 1 : i32
        %add3A_496 = arith.addi %mul3A_494, %add3A_495 : i32
        %get3A_497 = arith.index_cast %add3A_496 : i32 to index
        %get3A_498 = arith.constant 16 : index
        %get3A_499 = tpu.vector_load %arg14[%get3A_497, %get3A_498] {strides = array<i32>} : memref<50x64xf32, #tpu.memory_space<vmem>>, vector<1x16xf32>,
        %get3A_500 = vector.shape_cast %get3A_499 : vector<1x16xf32> to vector<16xf32>
        %add3A_501 = arith.addf %add3A_492, %get3A_500 : vector<16xf32>
        %mul3A_502 = arith.constant 2 : i32
        %mul3A_503 = arith.muli %mul3A_502, %scan3A_466 : i32
        %get3A_504 = arith.index_cast %mul3A_503 : i32 to index
        %get3A_505 = arith.constant 32 : index
        %get3A_506 = tpu.vector_load %arg14[%get3A_504, %get3A_505] {strides = array<i32>} : memref<50x64xf32, #tpu.memory_space<vmem>>, vector<1x16xf32>,
        %get3A_507 = vector.shape_cast %get3A_506 : vector<1x16xf32> to vector<16xf32>
        %add3A_508 = arith.addf %scan3A_469, %get3A_507 : vector<16xf32>
        %mul3A_509 = arith.constant 2 : i32
        %mul3A_510 = arith.muli %mul3A_509, %scan3A_466 : i32
        %add3A_511 = arith.constant 1 : i32
        %add3A_512 = arith.addi %mul3A_510, %add3A_511 : i32
        %get3A_513 = arith.index_cast %add3A_512 : i32 to index
        %get3A_514 = arith.constant 32 : index
        %get3A_515 = tpu.vector_load %arg14[%get3A_513, %get3A_514] {strides = array<i32>} : memref<50x64xf32, #tpu.memory_space<vmem>>, vector<1x16xf32>,
        %get3A_516 = vector.shape_cast %get3A_515 : vector<1x16xf32> to vector<16xf32>
        %add3A_517 = arith.addf %add3A_508, %get3A_516 : vector<16xf32>
        %mul3A_518 = arith.constant 2 : i32
        %mul3A_519 = arith.muli %mul3A_518, %scan3A_466 : i32
        %get3A_520 = arith.index_cast %mul3A_519 : i32 to index
        %get3A_521 = arith.constant 48 : index
        %get3A_522 = tpu.vector_load %arg14[%get3A_520, %get3A_521] {strides = array<i32>} : memref<50x64xf32, #tpu.memory_space<vmem>>, vector<1x16xf32>,
        %get3A_523 = vector.shape_cast %get3A_522 : vector<1x16xf32> to vector<16xf32>
        %add3A_524 = arith.addf %scan3A_470, %get3A_523 : vector<16xf32>
        %mul3A_525 = arith.constant 2 : i32
        %mul3A_526 = arith.muli %mul3A_525, %scan3A_466 : i32
        %add3A_527 = arith.constant 1 : i32
        %add3A_528 = arith.addi %mul3A_526, %add3A_527 : i32
        %get3A_529 = arith.index_cast %add3A_528 : i32 to index
        %get3A_530 = arith.constant 48 : index
        %get3A_531 = tpu.vector_load %arg14[%get3A_529, %get3A_530] {strides = array<i32>} : memref<50x64xf32, #tpu.memory_space<vmem>>, vector<1x16xf32>,
        %get3A_532 = vector.shape_cast %get3A_531 : vector<1x16xf32> to vector<16xf32>
        %add3A_533 = arith.addf %add3A_524, %get3A_532 : vector<16xf32>
        scf.yield %add3A_485, %add3A_501, %add3A_517, %add3A_533 : vector<16xf32>, vector<16xf32>, vector<16xf32>, vector<16xf32>
      }
      %scan3A_438 = arith.constant 25 : i32
      %swap3A_439 = arith.index_cast %add3A_418 : i32 to index
      %swap3A_440 = arith.constant 0 : index
      %swap3A_441 = tpu.vector_load %arg6[%swap3A_439, %swap3A_440] {strides = array<i32>} : memref<128x64xf32, #tpu.memory_space<vmem>>, vector<1x16xf32>,
      %swap3A_442 = vector.shape_cast %swap3A_441 : vector<1x16xf32> to vector<16xf32>
      %swap3A_443 = vector.shape_cast %scan3A_437#0 : vector<16xf32> to vector<1x16xf32>
      tpu.vector_store %arg6[%swap3A_439, %swap3A_440], %swap3A_443 {strides = array<i32>} : memref<128x64xf32, #tpu.memory_space<vmem>>, vector<1x16xf32>,
      %swap3A_444 = arith.index_cast %add3A_418 : i32 to index
      %swap3A_445 = arith.constant 16 : index
      %swap3A_446 = tpu.vector_load %arg6[%swap3A_444, %swap3A_445] {strides = array<i32>} : memref<128x64xf32, #tpu.memory_space<vmem>>, vector<1x16xf32>,
      %swap3A_447 = vector.shape_cast %swap3A_446 : vector<1x16xf32> to vector<16xf32>
      %swap3A_448 = vector.shape_cast %scan3A_437#1 : vector<16xf32> to vector<1x16xf32>
      tpu.vector_store %arg6[%swap3A_444, %swap3A_445], %swap3A_448 {strides = array<i32>} : memref<128x64xf32, #tpu.memory_space<vmem>>, vector<1x16xf32>,
      %swap3A_449 = arith.index_cast %add3A_418 : i32 to index
      %swap3A_450 = arith.constant 32 : index
      %swap3A_451 = tpu.vector_load %arg6[%swap3A_449, %swap3A_450] {strides = array<i32>} : memref<128x64xf32, #tpu.memory_space<vmem>>, vector<1x16xf32>,
      %swap3A_452 = vector.shape_cast %swap3A_451 : vector<1x16xf32> to vector<16xf32>
      %swap3A_453 = vector.shape_cast %scan3A_437#2 : vector<16xf32> to vector<1x16xf32>
      tpu.vector_store %arg6[%swap3A_449, %swap3A_450], %swap3A_453 {strides = array<i32>} : memref<128x64xf32, #tpu.memory_space<vmem>>, vector<1x16xf32>,
      %swap3A_454 = arith.index_cast %add3A_418 : i32 to index
      %swap3A_455 = arith.constant 48 : index
      %swap3A_456 = tpu.vector_load %arg6[%swap3A_454, %swap3A_455] {strides = array<i32>} : memref<128x64xf32, #tpu.memory_space<vmem>>, vector<1x16xf32>,
      %swap3A_457 = vector.shape_cast %swap3A_456 : vector<1x16xf32> to vector<16xf32>
      %swap3A_458 = vector.shape_cast %scan3A_437#3 : vector<16xf32> to vector<1x16xf32>
      tpu.vector_store %arg6[%swap3A_454, %swap3A_455], %swap3A_458 {strides = array<i32>} : memref<128x64xf32, #tpu.memory_space<vmem>>, vector<1x16xf32>,
      %add3A_459 = arith.constant 8 : i32
      %add3A_460 = arith.addi %add3A_418, %add3A_459 : i32
      %lt3A_461 = arith.constant 128 : i32
      %lt3A_462 = arith.cmpi slt, %add3A_460, %lt3A_461 : i32
      %convert_element_type3A_463 = arith.extui %lt3A_462 : i1 to i32
      %cond3A_464 = arith.constant 0 : i32
      %cond3A_465 = arith.cmpi ne, %convert_element_type3A_463, %cond3A_464 : i32
      scf.if %cond3A_465 {
        %add3A_466 = arith.constant 8 : i32
        %add3A_467 = arith.addi %add3A_418, %add3A_466 : i32
        %dma_start3A_468 = arith.constant 0 : i32
        %dma_start3A_469 = tpu.memref_slice %arg5[%add3A_467, %dma_start3A_468] : memref<128x50xi32, #tpu.memory_space<vmem>> -> memref<1x50xi32, #tpu.memory_space<vmem>>
        %dma_start3A_470 = tpu.memref_squeeze %dma_start3A_469 : memref<1x50xi32, #tpu.memory_space<vmem>> -> memref<50xi32, #tpu.memory_space<vmem>>
        %dma_start3A_471 = arith.constant 0 : i32
        %dma_start3A_472 = arith.constant 0 : i32
        %dma_start3A_473 = tpu.memref_slice %arg3[%dma_start3A_471, %dma_start3A_472] : memref<1048576x64xf32, #tpu.memory_space<hbm>> -> memref<1048576x64xf32, #tpu.memory_space<hbm>>
        tpu.enqueue_indirect_dma source(%dma_start3A_473 : memref<1048576x64xf32, #tpu.memory_space<hbm>>) target(%arg14 : memref<50x64xf32, #tpu.memory_space<vmem>>) offsets(%dma_start3A_470 : memref<50xi32, #tpu.memory_space<vmem>>) semaphore(%arg22 : memref<!tpu.dma_semaphore, #tpu.memory_space<semaphore_mem>>)
      } else {
      }
    }
    %scan3A_62 = arith.constant 16 : i32
    "tpu.region"() ({
      %run_scoped3A = tpu.sem_alloc : memref<!tpu.dma_semaphore, #tpu.memory_space<semaphore_mem>>
      %dma_start3A_63 = arith.constant 0 : i32
      %dma_start3A_64 = tpu.memref_slice %arg4[%mul3A_2, %dma_start3A_63] : memref<4096x64xf32, #tpu.memory_space<hbm>> -> memref<128x64xf32, #tpu.memory_space<hbm>>
      %dma_start3A_65 = arith.constant 0 : i32
      %dma_start3A_66 = tpu.memref_slice %arg4[%mul3A_2, %dma_start3A_65] : memref<4096x64xf32, #tpu.memory_space<hbm>> -> memref<128x64xf32, #tpu.memory_space<hbm>>
      tpu.enqueue_dma source(%arg6 : memref<128x64xf32, #tpu.memory_space<vmem>>) target(%dma_start3A_66 : memref<128x64xf32, #tpu.memory_space<hbm>>) target_semaphore(%run_scoped3A : memref<!tpu.dma_semaphore, #tpu.memory_space<semaphore_mem>>)
      %dma_wait3A = arith.constant 0 : i32
      %dma_wait3A_67 = tpu.memref_slice %arg4[%mul3A_2, %dma_wait3A] : memref<4096x64xf32, #tpu.memory_space<hbm>> -> memref<128x64xf32, #tpu.memory_space<hbm>>
      %dma_wait3A_68 = arith.constant 0 : i32
      %dma_wait3A_69 = tpu.memref_slice %arg4[%mul3A_2, %dma_wait3A_68] : memref<4096x64xf32, #tpu.memory_space<hbm>> -> memref<128x64xf32, #tpu.memory_space<hbm>>
      tpu.wait_dma2 semaphore(%run_scoped3A : memref<!tpu.dma_semaphore, #tpu.memory_space<semaphore_mem>>) src(%arg6 : memref<128x64xf32, #tpu.memory_space<vmem>>) dst(%dma_wait3A_69 : memref<128x64xf32, #tpu.memory_space<hbm>>)
      tpu.yield
    }) : () -> ()
    return
  }
}

module attributes {stable_mosaic.version = 14 : i64} {
  func.func @_transpose_body(%arg0: i32, %arg1: memref<64x4096xf32, #tpu.memory_space<vmem>>, %arg2: memref<64x4096xf32, #tpu.memory_space<vmem>>, %arg3: memref<4096x128xf32, #tpu.memory_space<vmem>>) attributes {dimension_semantics = [#tpu.dimension_semantics<arbitrary>], iteration_bounds = array<i64: 128>, scalar_prefetch = 0 : i64, scratch_operands = 0 : i64, tpu.core_type = #tpu.core_type<tc>, window_params = [{transform_indices = @transform_0, window_bounds = array<i64: 64, 4096>}, {transform_indices = @transform_1, window_bounds = array<i64: 64, 4096>}, {transform_indices = @transform_2, window_bounds = array<i64: 4096, 128>}]} {
    %get3A = arith.constant 0 : index
    %get3A_0 = arith.constant 0 : index
    %get3A_1 = vector.load %arg1[%get3A, %get3A_0] : memref<64x4096xf32, #tpu.memory_space<vmem>>, vector<64x4096xf32>
    %transpose3A = tpu.transpose %get3A_1, [1, 0] : vector<64x4096xf32> -> vector<4096x64xf32>
    %swap3A = arith.constant 0 : index
    %swap3A_2 = arith.constant 0 : index
    %swap3A_3 = vector.load %arg3[%swap3A, %swap3A_2] : memref<4096x128xf32, #tpu.memory_space<vmem>>, vector<4096x64xf32>
    tpu.vector_store %arg3[%swap3A, %swap3A_2], %transpose3A {strides = array<i32>} : memref<4096x128xf32, #tpu.memory_space<vmem>>, vector<4096x64xf32>,
    %get3A_4 = arith.constant 0 : index
    %get3A_5 = arith.constant 0 : index
    %get3A_6 = vector.load %arg2[%get3A_4, %get3A_5] : memref<64x4096xf32, #tpu.memory_space<vmem>>, vector<64x4096xf32>
    %transpose3A_7 = tpu.transpose %get3A_6, [1, 0] : vector<64x4096xf32> -> vector<4096x64xf32>
    %swap3A_8 = arith.constant 0 : index
    %swap3A_9 = arith.constant 64 : index
    %swap3A_10 = vector.load %arg3[%swap3A_8, %swap3A_9] : memref<4096x128xf32, #tpu.memory_space<vmem>>, vector<4096x64xf32>
    tpu.vector_store %arg3[%swap3A_8, %swap3A_9], %transpose3A_7 {strides = array<i32>} : memref<4096x128xf32, #tpu.memory_space<vmem>>, vector<4096x64xf32>,
    return
  }
  func.func @transform_0(%arg0: i32) -> (i32, i32) {
    %c0_i32 = arith.constant 0 : i32
    %c0_i32_0 = arith.constant 0 : i32
    return %c0_i32, %arg0 : i32, i32
  }
  func.func @transform_1(%arg0: i32) -> (i32, i32) {
    %add3A = arith.constant 128 : i32
    %add3A_0 = arith.addi %arg0, %add3A : i32
    %min3A = arith.constant 244 : i32
    %min3A_1 = arith.minsi %add3A_0, %min3A : i32
    %c0_i32 = arith.constant 0 : i32
    %c0_i32_2 = arith.constant 0 : i32
    return %c0_i32, %min3A_1 : i32, i32
  }
  func.func @transform_2(%arg0: i32) -> (i32, i32) {
    %c0_i32 = arith.constant 0 : i32
    %c0_i32_0 = arith.constant 0 : i32
    return %arg0, %c0_i32 : i32, i32
  }
}

module attributes {stable_mosaic.version = 14 : i64} {
  func.func @_matmul_body(%arg0: i32, %arg1: memref<64x1000xf32, #tpu.memory_space<vmem>>, %arg2: memref<512x64xf32, #tpu.memory_space<vmem>>, %arg3: memref<1000x1xf32, #tpu.memory_space<vmem>>, %arg4: memref<1000x512xf32, #tpu.memory_space<vmem>>) attributes {dimension_semantics = [#tpu.dimension_semantics<arbitrary>], iteration_bounds = array<i64: 8>, scalar_prefetch = 0 : i64, scratch_operands = 0 : i64, tpu.core_type = #tpu.core_type<tc>, window_params = [{pipeline_mode = #tpu.pipeline_mode<synchronous>, transform_indices = @transform_0, window_bounds = array<i64: 64, 1000>}, {transform_indices = @transform_1, window_bounds = array<i64: 512, 64>}, {pipeline_mode = #tpu.pipeline_mode<synchronous>, transform_indices = @transform_2, window_bounds = array<i64: 1000, 1>}, {transform_indices = @transform_3, window_bounds = array<i64: 1000, 512>}]} {
    %get3A = arith.constant 0 : index
    %get3A_0 = arith.constant 0 : index
    %get3A_1 = vector.load %arg1[%get3A, %get3A_0] : memref<64x1000xf32, #tpu.memory_space<vmem>>, vector<64x1000xf32>
    %get3A_2 = arith.constant 0 : index
    %get3A_3 = arith.constant 0 : index
    %get3A_4 = vector.load %arg2[%get3A_2, %get3A_3] : memref<512x64xf32, #tpu.memory_space<vmem>>, vector<512x64xf32>
    %dot_general3A = arith.constant dense<0.000000e+00> : vector<1000x512xf32>
    %dot_general3A_5 = tpu.matmul %get3A_1, %get3A_4, %dot_general3A {dimension_numbers = #tpu.dot_dimension_numbers<[0], [1], [1], [0], [0, 1, 1, 0], [], []>, transpose_lhs_hint = false} : vector<64x1000xf32>, vector<512x64xf32>, vector<1000x512xf32> -> vector<1000x512xf32>
    %get3A_6 = arith.constant 0 : index
    %get3A_7 = arith.constant 0 : index
    %get3A_8 = vector.load %arg3[%get3A_6, %get3A_7] : memref<1000x1xf32, #tpu.memory_space<vmem>>, vector<1000x1xf32>
    %add3A = vector.broadcast %get3A_8 : vector<1000x1xf32> to vector<1000x512xf32>
    %add3A_9 = arith.addf %dot_general3A_5, %add3A : vector<1000x512xf32>
    %swap3A = arith.constant 0 : index
    %swap3A_10 = arith.constant 0 : index
    %swap3A_11 = vector.load %arg4[%swap3A, %swap3A_10] : memref<1000x512xf32, #tpu.memory_space<vmem>>, vector<1000x512xf32>
    tpu.vector_store %arg4[%swap3A, %swap3A_10], %add3A_9 {strides = array<i32>} : memref<1000x512xf32, #tpu.memory_space<vmem>>, vector<1000x512xf32>,
    return
  }
  func.func @transform_0(%arg0: i32) -> (i32, i32) {
    %c0_i32 = arith.constant 0 : i32
    %c0_i32_0 = arith.constant 0 : i32
    %c0_i32_1 = arith.constant 0 : i32
    return %c0_i32, %c0_i32_0 : i32, i32
  }
  func.func @transform_1(%arg0: i32) -> (i32, i32) {
    %c0_i32 = arith.constant 0 : i32
    %c0_i32_0 = arith.constant 0 : i32
    return %arg0, %c0_i32 : i32, i32
  }
  func.func @transform_2(%arg0: i32) -> (i32, i32) {
    %c0_i32 = arith.constant 0 : i32
    %c0_i32_0 = arith.constant 0 : i32
    %c0_i32_1 = arith.constant 0 : i32
    return %c0_i32, %c0_i32_0 : i32, i32
  }
  func.func @transform_3(%arg0: i32) -> (i32, i32) {
    %c0_i32 = arith.constant 0 : i32
    %c0_i32_0 = arith.constant 0 : i32
    return %c0_i32, %arg0 : i32, i32
  }
}

</mosaic_0001>

<sc_bundles>
// kernel: kernel.5.cloned.1.call-start
scs
__scs_entry_jumppad:
0x0: {  	(pc) =	sbr.rel $0x88, $3  }
0x1: {  	(tag) =	ssettag $0x0;
	lr =	simm.s32 $0x1  }
0x2: {  	[smem:$0x3F9C] =	sst lr;
	_ =	strace $0xD0000000  }
0x3: {  	_ = 	snop  }
0x4: {  	_ = 	snop  }
0x5: {  	_ = 	snop  }
0x6: {  	_ = 	snop  }
0x7: {  	_ = 	snop  }
__scs_overlays_trampoline_lowered:
0x8: {  	[smem:$0x3FAB] =	sst s0  }
0x9: {  	[smem:$0x3FAC] =	sst s1  }
0xa: {  	[smem:$0x3FAD] =	sst s2  }
0xb: {  	[smem:$0x3FAE] =	sst s3  }
0xc: {  	[smem:$0x3FAF] =	sst s4  }
0xd: {  	[smem:$0x3FB0] =	sst s5  }
0xe: {  	[smem:$0x3FB1] =	sst s6  }
0xf: {  	[smem:$0x3FB2] =	sst s7  }
0x10: {  	[smem:$0x3FB3] =	sst s8  }
0x11: {  	[smem:$0x3FB4] =	sst s9;
	s0 =	simm.s32 @!p0 $0x0  }
0x12: {  	s1 =	sld [smem:$0x3F9A];
	s0 =	simm.s32 @p0 $0x1  }
0x13: {  	[smem:$0x3FB5] =	sst s0;
	s0 =	simm.s32 @!p1 $0x0  }
0x14: {  	s2 =	sld [smem:$0x3F99];
	s0 =	simm.s32 @p1 $0x1  }
0x15: {  	[smem:$0x3FB6] =	sst s0;
	s0 =	simm.s32 @!p2 $0x0  }
0x16: {  	s3 =	sld [smem:$0x3FDB];
	s0 =	simm.s32 @p2 $0x1  }
0x17: {  	s4 =	simm.s32 $0x1BF5;
	[smem:$0x3FB8] =	sst s0  }
0x18: {  	s0 =	sld [smem:$0x3F9B];
	_ =	swait.ge [sflag:s4], $0x0  }
0x19: {  	s7 =	sld [smem:$0x3F9C]  }
0x1a: {  	s8 =	sadd.s32 $0xFFFFE003, lr  }
0x1b: {  	s9 =	sadd.s32 $0xFFFFFEF7, lr;
	s5 =	simm.s32 $0xFFFFFFFF;
	p2 =	slt.u32 s8, $0xFFFFF086  }
0x1c: {  	p1 =	slt.u32 s9, $0xF7A;
	s5 =	simm.s32 @!p2 $0x0  }
0x1d: {  	s5 =	simm.s32 @p1 $0x1;
	p0 =	seq.s32 s7, s2  }
0x1e: {  	s7 =	smul.u32 @!p0 $0xF7A, s2;
	p2 =	seq.s32 @!p0 s5, $0x0  }
0x1f: {  	s9 =	smul.u32 $0xF7A, s1;
	s8 =	simm.s32 @!p0 $0x1BF5;
	p2 =	por !p2, p0  }
0x20: {  	[sflag:s8] =	ssyncset.s32 @!p0 $0xFFFFF086;
	s6 =	sadd.s32 @!p0 s3, s7;
	s7 =	simm.s32 @!p0 $0x108  }
0x21: {  	s3 =	sadd.s32 s3, s9;
	s6 =	sadd.s32 @!p0 $0x88, s6;
	s7 =	simm.s32 @p2 $0x1082  }
0x22: {  	[simem:s7], [sflag:s8] =	dma.local @!p0 [hbm:s6], $0xF7A  }
0x23: {  	s9 =	sor.u32 $0xD0000000, s2;
	s6 =	simm.s32 $0x108;
	_ =	swait.ge @!p0 [sflag:s8], $0x0  }
0x24: {  	s3 =	sadd.s32 $0x88, s3;
	s6 =	simm.s32 @!p1 $0x1082;
	[sflag:s4] =	ssyncset.s32 $0xFFFFF086  }
0x25: {  	[simem:s6], [sflag:s4] =	dma.local [hbm:s3], $0xF7A  }
0x26: {  	[smem:$0x3F9C] =	sst s1;
	(tag) =	ssettag s2;
	_ =	strace s9  }
0x27: {  	s1 =	sld [smem:$0x3FAC]  }
0x28: {  	s2 =	sld [smem:$0x3FAD]  }
0x29: {  	s4 =	sld [smem:$0x3FAF]  }
0x2a: {  	p0 =	seq.s32 s5, $0x0;
	s5 =	sld [smem:$0x3FB0]  }
0x2b: {  	s6 =	sld [smem:$0x3FB1]  }
0x2c: {  	s7 =	sld [smem:$0x3FB2]  }
0x2d: {  	s3 =	simm.s32 $0x108;
	s8 =	sld [smem:$0x3FB3]  }
0x2e: {  	s3 =	simm.s32 @!p0 $0x1082;
	s9 =	sld [smem:$0x3FB4]  }
0x2f: {  	lr =	sadd.s32 s0, s3;
	s0 =	sld [smem:$0x3FAB]  }
0x30: {  	s3 =	sld [smem:$0x3FAE]  }
0x31: {  	[smem:$0x3FB7] =	sst s10  }
0x32: {  	s10 =	sld [smem:$0x3FB5];
	_ =	sdelay $0x3  }
0x33: {  	p0 =	seq.s32 s10, $0x1;
	s10 =	sld [smem:$0x3FB7];
	_ =	sdelay $0x3  }
0x34: {  	[smem:$0x3FB7] =	sst s10  }
0x35: {  	s10 =	sld [smem:$0x3FB6];
	_ =	sdelay $0x3  }
0x36: {  	p1 =	seq.s32 s10, $0x1;
	s10 =	sld [smem:$0x3FB7];
	_ =	sdelay $0x3  }
0x37: {  	[smem:$0x3FB7] =	sst s10  }
0x38: {  	s10 =	sld [smem:$0x3FB8]  }
0x39: {  	_ = 	snop;
	(pc) =	sbr.ind lr, $3  }
0x3a: {  	_ = 	snop  }
0x3b: {  	_ = 	snop  }
0x3c: {  	p2 =	seq.s32 s10, $0x1;
	s10 =	sld [smem:$0x3FB7]  }
0x3d: {  	_ =	shalt  }
0x3e: {  	_ =	shalt  }
0x3f: {  	_ =	shalt  }
0x40: {  	_ =	shalt  }
0x41: {  	_ =	shalt  }
0x42: {  	_ =	shalt  }
0x43: {  	_ =	shalt  }
0x44: {  	_ =	shalt  }
0x45: {  	_ =	shalt  }
0x46: {  	_ =	shalt  }
0x47: {  	_ =	shalt  }
0x48: {  	_ =	shalt  }
0x49: {  	_ =	shalt  }
0x4a: {  	_ =	shalt  }
0x4b: {  	_ =	shalt  }
0x4c: {  	_ =	shalt  }
0x4d: {  	_ =	shalt  }
0x4e: {  	_ =	shalt  }
0x4f: {  	_ =	shalt  }
0x50: {  	_ =	shalt  }
0x51: {  	_ =	shalt  }
0x52: {  	_ =	shalt  }
0x53: {  	_ =	shalt  }
0x54: {  	_ =	shalt  }
0x55: {  	_ =	shalt  }
0x56: {  	_ =	shalt  }
0x57: {  	_ =	shalt  }
0x58: {  	_ =	shalt  }
0x59: {  	_ =	shalt  }
0x5a: {  	_ =	shalt  }
0x5b: {  	_ =	shalt  }
0x5c: {  	_ =	shalt  }
0x5d: {  	_ =	shalt  }
0x5e: {  	_ =	shalt  }
0x5f: {  	_ =	shalt  }
0x60: {  	_ =	shalt  }
0x61: {  	_ =	shalt  }
0x62: {  	_ =	shalt  }
0x63: {  	_ =	shalt  }
0x64: {  	_ =	shalt  }
0x65: {  	_ =	shalt  }
0x66: {  	_ =	shalt  }
0x67: {  	_ =	shalt  }
0x68: {  	_ =	shalt  }
0x69: {  	_ =	shalt  }
0x6a: {  	_ =	shalt  }
0x6b: {  	_ =	shalt  }
0x6c: {  	_ =	shalt  }
0x6d: {  	_ =	shalt  }
0x6e: {  	_ =	shalt  }
0x6f: {  	_ =	shalt  }
0x70: {  	_ =	shalt  }
0x71: {  	_ =	shalt  }
0x72: {  	_ =	shalt  }
0x73: {  	_ =	shalt  }
0x74: {  	_ =	shalt  }
0x75: {  	_ =	shalt  }
0x76: {  	_ =	shalt  }
0x77: {  	_ =	shalt  }
0x78: {  	_ =	shalt  }
0x79: {  	_ =	shalt  }
0x7a: {  	_ =	shalt  }
0x7b: {  	_ =	shalt  }
0x7c: {  	_ =	shalt  }
0x7d: {  	_ =	shalt  }
0x7e: {  	_ =	shalt  }
0x7f: {  	_ =	shalt  }
0x80: {  	_ =	shalt  }
0x81: {  	_ =	shalt  }
0x82: {  	_ =	shalt  }
0x83: {  	_ =	shalt  }
0x84: {  	_ =	shalt  }
0x85: {  	_ =	shalt  }
0x86: {  	_ =	shalt  }
0x87: {  	_ =	shalt  }
.Lfunc_end0:
.L_simem_size_0:
called_computation_lowered:
.L_overlay_start_0:
0x88: {  	s2 =	sld [smem:$0x3FD9]  }
0x89: {  	s3 =	sld [smem:$0x3FFE];
	_ =	sdelay $0x1  }
0x8a: {  	s1 =	srdreg.scid  }
0x8b: {  	s0 =	sand.u32 $0x1, s1  }
0x8c: {  	s17 =	sshll.u32 s0, $0xA;
	s2 =	sadd.s32 s3, s2  }
0x8d: {  	s2 =	sadd.s32 s2, s17  }
0x8e: {  	[smem:$0x3FC3] =	sst s2  }
0x8f: {  	_ = 	snop  }
0x90: {  	s2 =	sld [smem:$0x3FD0];
	(tm) =	ssettm $0x1  }
0x91: {  	s18 =	sld [smem:$0x3FFB];
	_ =	sdelay $0x3  }
0x92: {  	_ =	strace s18  }
0x93: {  	s3 =	sld [smem:$0x3FFC];
	_ =	sdelay $0x3  }
0x94: {  	_ =	strace s3  }
0x95: {  	s3 =	sld [smem:$0x3FFD];
	_ =	sdelay $0x3  }
0x96: {  	_ =	strace s3  }
0x97: {  	_ =	strace $0x8FFFFFFF  }
0x98: {  	s19 =	sld [smem:$0x3FDB];
	_ =	sdelay $0x1  }
0x99: {  	s4 =	simm.s32 $_scs_section_size  }
0x9a: {  	s5 =	simm.s32 $_size__tile_overlayer_lowered;
	s6 =	simm.s32 $_tile_overlayer_lowered  }
0x9b: {  	s22 =	simm.s32 $0x1BFF;
	s21 =	sshll.u32 s6, $0x1;
	s3 =	sadd.s32 s4, s19  }
0x9c: {  	s7 =	simm.s32 $0x0;
	s20 =	sshll.u32 s5, $0x1;
	s5 =	sadd.s32 s21, s3  }
0x9d: {  	[timem:s7], [sflag:s22] =	dma.local [hbm:s5], s20  }
0x9e: {  	_ =	swait.ge [sflag:s22], s20  }
0x9f: {  	s4 =	ssub.s32 $0x0, s20;
	[sflag:s22] =	ssyncset.done $0x0  }
0xa0: {  	[sflag:s22] =	ssyncadd.s32 s4;
	_ =	sdelay $0x1  }
0xa1: {  	s23 =	simm.s32 $0x1B8B  }
0xa2: {  	_ =	swait.ge [sflag:s23], $0x1  }
0xa3: {  	[sflag:s23] =	ssyncset.done $0x0  }
0xa4: {  	s25 =	simm.s32 $0x1B8E;
	s24 =	sld [smem:$0x3FFE];
	[sflag:s23] =	ssyncadd.s32 $0xFFFFFFFF  }
0xa5: {  	s26 =	simm.s32 $execute0_lowered;
	[smem:$0x3FD2] =	sst s25  }
0xa6: {  	s5 =	sshll.u32 s26, $0x1;
	_ =	strace $0x80000046;
	[dreg:$0x1] =	wrdreg $0xFFFFFFFF  }
0xa7: {  	s28 =	simm.s32 $_size_execute0_lowered;
	s3 =	sadd.s32 s3, s5;
	[dreg:$0x0] =	wrdreg $0x0  }
0xa8: {  	s5 =	sshll.u32 s28, $0x1;
	[dreg:$0x2] =	wrdreg s3  }
0xa9: {  	[dreg:$0x3] =	wrdreg s5  }
0xaa: {  	[dreg:$0x4] =	wrdreg $0xC0  }
0xab: {  	_ =	task [dreg:s7], $0x5FFFF  }
0xac: {  	[dreg:$0x1] =	wrdreg $0xFFFFFFFF  }
0xad: {  	[dreg:$0x0] =	wrdreg $0x60  }
0xae: {  	[dreg:$0x2] =	wrdreg s24  }
0xaf: {  	[dreg:$0x3] =	wrdreg s2  }
0xb0: {  	[dreg:$0x4] =	wrdreg $0x9  }
0xb1: {  	_ =	task.clear_ibuf [dreg:s7], $0x5FFFF;
	_ =	strace $0x90000046  }
0xb2: {  	s29 =	simm.s32 $0x9;
	_ =	strace $0x80000048  }
0xb3: {  	_ =	swait.ge [sflag:s29], $0x1  }
0xb4: {  	[sflag:s29] =	ssyncadd.s32 $0xFFFFFFFF  }
0xb5: {  	_ =	strace $0x90000048  }
0xb6: {  	_ =	sfence  }
0xb7: {  	s30 =	sld [smem:$0x0];
	_ =	sdelay $0x2  }
0xb8: {  	s31 =	sshll.u32 s1, $0xD;
	s1 =	sshrl.u32 s1, $0x2  }
0xb9: {  	s3 =	sand.u32 $0x4000, s31;
	s1 =	sadd.s32 s1, s30  }
0xba: {  	s0 =	sor.u32 s3, s0;
	s1 =	sshll.u32 s1, $0x11  }
0xbb: {  	s0 =	sor.u32 s1, s0  }
0xbc: {  	s0 =	sadd.s32 $0x8F2B, s0  }
0xbd: {  	[sflag:s0] =	ssyncadd.remote.s32 $0x1  }
0xbe: {  	_ =	sfence.sel $0xFFFF  }
0xbf: {  	[dreg:$0x0] =	wrdreg $0xFFFFFFFF;
	(pc) =	sbr.abs _section_cstart, $3  }
0xc0: {  	[dreg:$0x1] =	wrdreg $0xFFFFFFFF  }
0xc1: {  	_ =	task.clear_ibuf [dreg:s7], $0x2FFFF;
	_ =	strace $0x9FFFFFFF  }
0xc2: {  	(tm) =	ssettm $0x7FFFFFFF  }
0xc3: {  	_ =	shalt  }
tec
execute0_lowered:
.L_overlay_start_1:
0x0: {  	(tag) =	ssettag $0x1  }
0x1: {  	s0 =	srdreg.scid  }
0x2: {  	s2 =	stileid.u32;
	s1 =	rddreg [dreg:$0x0]  }
0x3: {  	s5 =	rddreg [dreg:$0x1];
	s8 =	simm.s32 $0x32;
	s16 =	simm.s32 $0xE0  }
0x4: {  	s17 =	simm.s32 $0x6E00;
	s18 =	simm.s32 $0x118;
	s19 =	simm.s32 $0x7A80  }
0x5: {  	s20 =	simm.s32 $0x150;
	s21 =	simm.s32 $0x8700;
	s22 =	simm.s32 $0x188  }
0x6: {  	s23 =	simm.s32 $0x9380;
	s24 =	simm.s32 $0x1;
	s25 =	simm.s32 $0x2  }
0x7: {  	s28 =	simm.s32 $0x4;
	s29 =	simm.s32 $0x5;
	s0 =	sand.u32 $0x1, s0  }
0x8: {  	s30 =	simm.s32 $0x6;
	s2 =	sshll.u32 s2, $0x8;
	s3 =	sshll.u32 s0, $0x7  }
0x9: {  	s31 =	simm.s32 $0x7;
	s9 =	simm.s32 $0x0;
	s4 =	sor.u32 s3, s2  }
0xa: {  	s0 =	ssub.s32 $0x2, s0;
	s2 =	simm.s32 $0x0;
	s3 =	smul.u32 $0x7, s4  }
.Ltmp0:
0xb: {  	s7 =	sshrl.u32 s0, $0x1;
	[smem:$0x7FF] =	sst s2;
	(pc) =	sbr.rel .LBB2_1-.Ltmp0, $4  }
0xc: {  	s0 =	ssub.s32 s0, s7;
	s26 =	sshll.u32 s4, $0x3;
	s7 =	simm.s32 $0x9  }
0xd: {  	_ =	strace $0x80000047;
	s5 =	sadd.s32 s5, s26;
	s26 =	simm.s32 $0x3  }
0xe: {  	s6 =	sadd.s32 s3, s1;
	s3 =	sadd.s32 $0x7A00, s1;
	s1 =	simm.s32 $0x8  }
0xf: {  	s4 =	sadd.s32 $0xA00, s6;
	s6 =	smax.u32 s0, $0x1;
	s0 =	simm.s32 $0x1C00  }
.LBB2_20:
0x10: {  	s9 =	sadd.s32 $0x1, s9  }
0x11: {  	p0 =	sne.s32 s9, s6  }
.Ltmp1:
0x12: {  	_ = 	snop;
	(pc) =	sbr.rel @!p0 .LBB2_21-.Ltmp1, $4  }
0x13: {  	[hbm4b:s5+s2] =	stream.linear.scatter [tilespmem:s0], [sflag:$0x9], $0x2000, $0x38;
	[tilespmem:$0xA000] =	vst v63  }
0x14: {  	_ =	swait.ge [sflag:s7], $0x2000  }
0x15: {  	[sflag:s7] =	ssyncset.done $0x0  }
0x16: {  	[sflag:s7] =	ssyncadd.s32 $0xFFFFE000  }
.LBB2_1:
0x17: {  	[tilespmem:s2], [sflag:$0x9] =	stream.linear.gather [hbm4b:s4+s2], $0x1C00, $0x38;
	[tilespmem:$0xA000] =	vst v63  }
0x18: {  	_ =	swait.ge [sflag:s7], $0x1C00  }
0x19: {  	[sflag:s7] =	ssyncset.done $0x0  }
0x1a: {  	s10 =	simm.s32 $0x3C00;
	[sflag:s7] =	ssyncadd.s32 $0xFFFFE400  }
0x1b: {  	[tilespmem:s10], [sflag:$0x1] =	stream.indirect.gather [hbm4b:s3+s8], $0x40, s2, s8, $0xb8;
	[tilespmem:$0xA000] =	vst v63  }
0x1c: {  	s15 =	simm.s32 $0x38;
	s11 =	simm.s32 $0x4880  }
0x1d: {  	[tilespmem:s11], [sflag:$0x2] =	stream.indirect.gather [hbm4b:s3+s8], $0x40, s15, s8, $0xb8;
	[tilespmem:$0xA000] =	vst v63  }
0x1e: {  	s12 =	simm.s32 $0x70;
	s13 =	simm.s32 $0x5500  }
0x1f: {  	[tilespmem:s13], [sflag:$0x3] =	stream.indirect.gather [hbm4b:s3+s8], $0x40, s12, s8, $0xb8;
	[tilespmem:$0xA000] =	vst v63  }
0x20: {  	s14 =	simm.s32 $0xA8;
	s15 =	simm.s32 $0x6180  }
0x21: {  	[tilespmem:s15], [sflag:$0x4] =	stream.indirect.gather [hbm4b:s3+s8], $0x40, s14, s8, $0xb8;
	[tilespmem:$0xA000] =	vst v63  }
0x22: {  	_ = 	snop  }
0x23: {  	[tilespmem:s17], [sflag:$0x5] =	stream.indirect.gather [hbm4b:s3+s8], $0x40, s16, s8, $0xb8;
	[tilespmem:$0xA000] =	vst v63  }
0x24: {  	_ = 	snop  }
0x25: {  	[tilespmem:s19], [sflag:$0x6] =	stream.indirect.gather [hbm4b:s3+s8], $0x40, s18, s8, $0xb8;
	[tilespmem:$0xA000] =	vst v63  }
0x26: {  	_ = 	snop  }
0x27: {  	[tilespmem:s21], [sflag:$0x7] =	stream.indirect.gather [hbm4b:s3+s8], $0x40, s20, s8, $0xb8;
	[tilespmem:$0xA000] =	vst v63  }
0x28: {  	s10 =	simm.s32 $0x0  }
0x29: {  	[tilespmem:s23], [sflag:$0x8] =	stream.indirect.gather [hbm4b:s3+s8], $0x40, s22, s8, $0xb8;
	[tilespmem:$0xA000] =	vst v63  }
.LBB2_2:
0x2a: {  	_ =	swait.ge [sflag:s24], $0xC80  }
0x2b: {  	[sflag:s24] =	ssyncset.done $0x0  }
0x2c: {  	s11 =	simm.s32 $0x0;
	[sflag:s24] =	ssyncadd.s32 $0xFFFFF380  }
0x2d: {  	v1 =	vld [tilespmem:s11+$0x3C40]  }
0x2e: {  	v0 =	vld [tilespmem:s11+$0x3C50]  }
0x2f: {  	v2 =	vld [tilespmem:s11+$0x3C00]  }
0x30: {  	v5 =	vimm.f32 $0.0e+00;
	v3 =	vld [tilespmem:s11+$0x3C10]  }
0x31: {  	s12 =	simm.s32 $0x200;
	v7 =	vimm.f32 $0.0e+00;
	v8 =	vimm.f32 $0.0e+00;
	v6 =	vimm.f32 $0.0e+00;
	v4 =	vld [tilespmem:s11+$0x3C20]  }
.LBB2_3:
0x32: {  	p0 =	sne.s32 s12, $0x3000;
	v9 =	vld [tilespmem:s11+$0x3C30];
	v10 =	vmov v1  }
0x33: {  	v11 =	vld [tilespmem:s11+$0x3C60];
	v12 =	vmov v0  }
0x34: {  	v13 =	vld [tilespmem:s11+$0x3C70];
	s11 =	sshra.s32 s12, $0x2  }
.Ltmp2:
0x35: {  	v1 =	vld [tilespmem:s11+$0x3C40];
	(pc) =	sbr.rel @p0 .LBB2_3-.Ltmp2, $4  }
0x36: {  	v5 =	vadd.f32 v2, v5;
	v7 =	vadd.f32 v3, v7;
	v0 =	vld [tilespmem:s11+$0x3C50]  }
0x37: {  	v8 =	vadd.f32 v4, v8;
	v2 =	vld [tilespmem:s11+$0x3C00];
	v6 =	vadd.f32 v9, v6  }
0x38: {  	v5 =	vadd.f32 v10, v5;
	v7 =	vadd.f32 v12, v7;
	v3 =	vld [tilespmem:s11+$0x3C10]  }
0x39: {  	s12 =	sadd.s32 $0x200, s12;
	v8 =	vadd.f32 v11, v8;
	v4 =	vld [tilespmem:s11+$0x3C20];
	v6 =	vadd.f32 v13, v6  }
0x3a: {  	v9 =	vld [tilespmem:s11+$0x3C30]  }
0x3b: {  	v10 =	vld [tilespmem:s11+$0x3C60]  }
0x3c: {  	v11 =	vld [tilespmem:s11+$0x3C70];
	v2 =	vadd.f32 v2, v5  }
0x3d: {  	v3 =	vadd.f32 v3, v7  }
0x3e: {  	s15 =	sshll.u32 s10, $0x9;
	v4 =	vadd.f32 v4, v8;
	v1 =	vadd.f32 v1, v2  }
0x3f: {  	p0 =	seq.s32 s10, $0xF;
	s11 =	sand.u32 $0x3FFFFE00, s15;
	v2 =	vadd.f32 v9, v6;
	v0 =	vadd.f32 v0, v3  }
0x40: {  	s12 =	smul.u32 @!p0 $0x700, s10;
	v3 =	vadd.f32 v10, v4;
	[tilespmem:s11+$0x1C00] =	vst v1  }
0x41: {  	v1 =	vadd.f32 v11, v2;
	[tilespmem:s11+$0x1C10] =	vst v0  }
0x42: {  	s12 =	sshra.s32 @!p0 s12, $0x2;
	[tilespmem:s11+$0x1C20] =	vst v3  }
0x43: {  	s14 =	simm.s32 @!p0 $0x32;
	s15 =	simm.s32 @!p0 $0x3C00;
	s13 =	sadd.s32 @!p0 $0x1C0, s12;
	[tilespmem:s11+$0x1C30] =	vst v1  }
0x44: {  	[tilespmem:s15], [sflag:$0x1] =	stream.indirect.gather @!p0 [hbm4b:s3+s14], $0x40, s13, s14, $0xb8;
	[tilespmem:$0xA000] =	vst v63  }
0x45: {  	_ =	swait.ge [sflag:s25], $0xC80  }
0x46: {  	[sflag:s25] =	ssyncset.done $0x0  }
0x47: {  	s13 =	simm.s32 $0x0;
	[sflag:s25] =	ssyncadd.s32 $0xFFFFF380  }
0x48: {  	v1 =	vld [tilespmem:s13+$0x48C0]  }
0x49: {  	v0 =	vld [tilespmem:s13+$0x48D0]  }
0x4a: {  	v2 =	vld [tilespmem:s13+$0x4880]  }
0x4b: {  	v5 =	vimm.f32 $0.0e+00;
	v3 =	vld [tilespmem:s13+$0x4890]  }
0x4c: {  	v7 =	vimm.f32 $0.0e+00;
	v8 =	vimm.f32 $0.0e+00;
	v6 =	vimm.f32 $0.0e+00;
	s14 =	simm.s32 $0x200;
	v4 =	vld [tilespmem:s13+$0x48A0]  }
.LBB2_5:
0x4d: {  	p1 =	sne.s32 s14, $0x3000;
	v9 =	vld [tilespmem:s13+$0x48B0];
	v10 =	vmov v1  }
0x4e: {  	v11 =	vld [tilespmem:s13+$0x48E0];
	v12 =	vmov v0  }
0x4f: {  	v13 =	vld [tilespmem:s13+$0x48F0];
	s13 =	sshra.s32 s14, $0x2  }
.Ltmp3:
0x50: {  	v1 =	vld [tilespmem:s13+$0x48C0];
	(pc) =	sbr.rel @p1 .LBB2_5-.Ltmp3, $4  }
0x51: {  	v5 =	vadd.f32 v2, v5;
	v6 =	vadd.f32 v3, v6;
	v0 =	vld [tilespmem:s13+$0x48D0]  }
0x52: {  	v8 =	vadd.f32 v4, v8;
	v2 =	vld [tilespmem:s13+$0x4880];
	v7 =	vadd.f32 v9, v7  }
0x53: {  	v5 =	vadd.f32 v10, v5;
	v6 =	vadd.f32 v12, v6;
	v3 =	vld [tilespmem:s13+$0x4890]  }
0x54: {  	s14 =	sadd.s32 $0x200, s14;
	v8 =	vadd.f32 v11, v8;
	v4 =	vld [tilespmem:s13+$0x48A0];
	v7 =	vadd.f32 v13, v7  }
0x55: {  	v9 =	vld [tilespmem:s13+$0x48B0]  }
0x56: {  	v10 =	vld [tilespmem:s13+$0x48E0]  }
0x57: {  	v11 =	vld [tilespmem:s13+$0x48F0];
	v2 =	vadd.f32 v2, v5  }
0x58: {  	v3 =	vadd.f32 v3, v6  }
0x59: {  	v4 =	vadd.f32 v4, v8;
	v1 =	vadd.f32 v1, v2  }
0x5a: {  	v2 =	vadd.f32 v9, v7;
	v0 =	vadd.f32 v0, v3  }
0x5b: {  	v3 =	vadd.f32 v10, v4;
	[tilespmem:s11+$0x1C40] =	vst v1  }
0x5c: {  	v1 =	vadd.f32 v11, v2;
	[tilespmem:s11+$0x1C50] =	vst v0  }
0x5d: {  	[tilespmem:s11+$0x1C60] =	vst v3  }
0x5e: {  	s13 =	sadd.s32 @!p0 $0x1F8, s12;
	s14 =	simm.s32 @!p0 $0x32;
	s15 =	simm.s32 @!p0 $0x4880;
	[tilespmem:s11+$0x1C70] =	vst v1  }
0x5f: {  	[tilespmem:s15], [sflag:$0x2] =	stream.indirect.gather @!p0 [hbm4b:s3+s14], $0x40, s13, s14, $0xb8;
	[tilespmem:$0xA000] =	vst v63  }
0x60: {  	_ =	swait.ge [sflag:s26], $0xC80  }
0x61: {  	[sflag:s26] =	ssyncset.done $0x0  }
0x62: {  	s13 =	simm.s32 $0x0;
	[sflag:s26] =	ssyncadd.s32 $0xFFFFF380  }
0x63: {  	v1 =	vld [tilespmem:s13+$0x5540]  }
0x64: {  	v0 =	vld [tilespmem:s13+$0x5550]  }
0x65: {  	v2 =	vld [tilespmem:s13+$0x5500]  }
0x66: {  	v5 =	vimm.f32 $0.0e+00;
	v3 =	vld [tilespmem:s13+$0x5510]  }
0x67: {  	v6 =	vimm.f32 $0.0e+00;
	v8 =	vimm.f32 $0.0e+00;
	v7 =	vimm.f32 $0.0e+00;
	s14 =	simm.s32 $0x200;
	v4 =	vld [tilespmem:s13+$0x5520]  }
.LBB2_7:
0x68: {  	p1 =	sne.s32 s14, $0x3000;
	v9 =	vld [tilespmem:s13+$0x5530];
	v10 =	vmov v1  }
0x69: {  	v11 =	vld [tilespmem:s13+$0x5560];
	v12 =	vmov v0  }
0x6a: {  	v13 =	vld [tilespmem:s13+$0x5570];
	s13 =	sshra.s32 s14, $0x2  }
.Ltmp4:
0x6b: {  	v1 =	vld [tilespmem:s13+$0x5540];
	(pc) =	sbr.rel @p1 .LBB2_7-.Ltmp4, $4  }
0x6c: {  	v5 =	vadd.f32 v2, v5;
	v6 =	vadd.f32 v3, v6;
	v0 =	vld [tilespmem:s13+$0x5550]  }
0x6d: {  	v8 =	vadd.f32 v4, v8;
	v2 =	vld [tilespmem:s13+$0x5500];
	v7 =	vadd.f32 v9, v7  }
0x6e: {  	v5 =	vadd.f32 v10, v5;
	v6 =	vadd.f32 v12, v6;
	v3 =	vld [tilespmem:s13+$0x5510]  }
0x6f: {  	s14 =	sadd.s32 $0x200, s14;
	v8 =	vadd.f32 v11, v8;
	v4 =	vld [tilespmem:s13+$0x5520];
	v7 =	vadd.f32 v13, v7  }
0x70: {  	v9 =	vld [tilespmem:s13+$0x5530]  }
0x71: {  	v10 =	vld [tilespmem:s13+$0x5560]  }
0x72: {  	v11 =	vld [tilespmem:s13+$0x5570];
	v2 =	vadd.f32 v2, v5  }
0x73: {  	v3 =	vadd.f32 v3, v6  }
0x74: {  	v4 =	vadd.f32 v4, v8;
	v1 =	vadd.f32 v1, v2  }
0x75: {  	v2 =	vadd.f32 v9, v7;
	v0 =	vadd.f32 v0, v3  }
0x76: {  	v3 =	vadd.f32 v10, v4;
	[tilespmem:s11+$0x1C80] =	vst v1  }
0x77: {  	v1 =	vadd.f32 v11, v2;
	[tilespmem:s11+$0x1C90] =	vst v0  }
0x78: {  	[tilespmem:s11+$0x1CA0] =	vst v3  }
0x79: {  	s13 =	sadd.s32 @!p0 $0x230, s12;
	s14 =	simm.s32 @!p0 $0x32;
	s15 =	simm.s32 @!p0 $0x5500;
	[tilespmem:s11+$0x1CB0] =	vst v1  }
0x7a: {  	[tilespmem:s15], [sflag:$0x3] =	stream.indirect.gather @!p0 [hbm4b:s3+s14], $0x40, s13, s14, $0xb8;
	[tilespmem:$0xA000] =	vst v63  }
0x7b: {  	_ =	swait.ge [sflag:s28], $0xC80  }
0x7c: {  	[sflag:s28] =	ssyncset.done $0x0  }
0x7d: {  	s13 =	simm.s32 $0x0;
	[sflag:s28] =	ssyncadd.s32 $0xFFFFF380  }
0x7e: {  	v1 =	vld [tilespmem:s13+$0x61C0]  }
0x7f: {  	v0 =	vld [tilespmem:s13+$0x61D0]  }
0x80: {  	v2 =	vld [tilespmem:s13+$0x6180]  }
0x81: {  	v5 =	vimm.f32 $0.0e+00;
	v3 =	vld [tilespmem:s13+$0x6190]  }
0x82: {  	v6 =	vimm.f32 $0.0e+00;
	v8 =	vimm.f32 $0.0e+00;
	v7 =	vimm.f32 $0.0e+00;
	s14 =	simm.s32 $0x200;
	v4 =	vld [tilespmem:s13+$0x61A0]  }
.LBB2_9:
0x83: {  	p1 =	sne.s32 s14, $0x3000;
	v9 =	vld [tilespmem:s13+$0x61B0];
	v10 =	vmov v1  }
0x84: {  	v11 =	vld [tilespmem:s13+$0x61E0];
	v12 =	vmov v0  }
0x85: {  	v13 =	vld [tilespmem:s13+$0x61F0];
	s13 =	sshra.s32 s14, $0x2  }
.Ltmp5:
0x86: {  	v1 =	vld [tilespmem:s13+$0x61C0];
	(pc) =	sbr.rel @p1 .LBB2_9-.Ltmp5, $4  }
0x87: {  	v5 =	vadd.f32 v2, v5;
	v6 =	vadd.f32 v3, v6;
	v0 =	vld [tilespmem:s13+$0x61D0]  }
0x88: {  	v8 =	vadd.f32 v4, v8;
	v2 =	vld [tilespmem:s13+$0x6180];
	v7 =	vadd.f32 v9, v7  }
0x89: {  	v5 =	vadd.f32 v10, v5;
	v6 =	vadd.f32 v12, v6;
	v3 =	vld [tilespmem:s13+$0x6190]  }
0x8a: {  	s14 =	sadd.s32 $0x200, s14;
	v8 =	vadd.f32 v11, v8;
	v4 =	vld [tilespmem:s13+$0x61A0];
	v7 =	vadd.f32 v13, v7  }
0x8b: {  	v9 =	vld [tilespmem:s13+$0x61B0]  }
0x8c: {  	v10 =	vld [tilespmem:s13+$0x61E0]  }
0x8d: {  	v11 =	vld [tilespmem:s13+$0x61F0];
	v2 =	vadd.f32 v2, v5  }
0x8e: {  	v3 =	vadd.f32 v3, v6  }
0x8f: {  	v4 =	vadd.f32 v4, v8;
	v1 =	vadd.f32 v1, v2  }
0x90: {  	v2 =	vadd.f32 v9, v7;
	v0 =	vadd.f32 v0, v3  }
0x91: {  	v3 =	vadd.f32 v10, v4;
	[tilespmem:s11+$0x1CC0] =	vst v1  }
0x92: {  	v1 =	vadd.f32 v11, v2;
	[tilespmem:s11+$0x1CD0] =	vst v0  }
0x93: {  	[tilespmem:s11+$0x1CE0] =	vst v3  }
0x94: {  	s13 =	sadd.s32 @!p0 $0x268, s12;
	s14 =	simm.s32 @!p0 $0x32;
	s15 =	simm.s32 @!p0 $0x6180;
	[tilespmem:s11+$0x1CF0] =	vst v1  }
0x95: {  	[tilespmem:s15], [sflag:$0x4] =	stream.indirect.gather @!p0 [hbm4b:s3+s14], $0x40, s13, s14, $0xb8;
	[tilespmem:$0xA000] =	vst v63  }
0x96: {  	_ =	swait.ge [sflag:s29], $0xC80  }
0x97: {  	[sflag:s29] =	ssyncset.done $0x0  }
0x98: {  	s13 =	simm.s32 $0x0;
	[sflag:s29] =	ssyncadd.s32 $0xFFFFF380  }
0x99: {  	v1 =	vld [tilespmem:s13+$0x6E40]  }
0x9a: {  	v0 =	vld [tilespmem:s13+$0x6E50]  }
0x9b: {  	v2 =	vld [tilespmem:s13+$0x6E00]  }
0x9c: {  	v5 =	vimm.f32 $0.0e+00;
	v3 =	vld [tilespmem:s13+$0x6E10]  }
0x9d: {  	v6 =	vimm.f32 $0.0e+00;
	v8 =	vimm.f32 $0.0e+00;
	v7 =	vimm.f32 $0.0e+00;
	s14 =	simm.s32 $0x200;
	v4 =	vld [tilespmem:s13+$0x6E20]  }
.LBB2_11:
0x9e: {  	p1 =	sne.s32 s14, $0x3000;
	v9 =	vld [tilespmem:s13+$0x6E30];
	v10 =	vmov v1  }
0x9f: {  	v11 =	vld [tilespmem:s13+$0x6E60];
	v12 =	vmov v0  }
0xa0: {  	v13 =	vld [tilespmem:s13+$0x6E70];
	s13 =	sshra.s32 s14, $0x2  }
.Ltmp6:
0xa1: {  	v1 =	vld [tilespmem:s13+$0x6E40];
	(pc) =	sbr.rel @p1 .LBB2_11-.Ltmp6, $4  }
0xa2: {  	v5 =	vadd.f32 v2, v5;
	v6 =	vadd.f32 v3, v6;
	v0 =	vld [tilespmem:s13+$0x6E50]  }
0xa3: {  	v8 =	vadd.f32 v4, v8;
	v2 =	vld [tilespmem:s13+$0x6E00];
	v7 =	vadd.f32 v9, v7  }
0xa4: {  	v5 =	vadd.f32 v10, v5;
	v6 =	vadd.f32 v12, v6;
	v3 =	vld [tilespmem:s13+$0x6E10]  }
0xa5: {  	s14 =	sadd.s32 $0x200, s14;
	v8 =	vadd.f32 v11, v8;
	v4 =	vld [tilespmem:s13+$0x6E20];
	v7 =	vadd.f32 v13, v7  }
0xa6: {  	v9 =	vld [tilespmem:s13+$0x6E30]  }
0xa7: {  	v10 =	vld [tilespmem:s13+$0x6E60]  }
0xa8: {  	v11 =	vld [tilespmem:s13+$0x6E70];
	v2 =	vadd.f32 v2, v5  }
0xa9: {  	v3 =	vadd.f32 v3, v6  }
0xaa: {  	v4 =	vadd.f32 v4, v8;
	v1 =	vadd.f32 v1, v2  }
0xab: {  	v2 =	vadd.f32 v9, v7;
	v0 =	vadd.f32 v0, v3  }
0xac: {  	v3 =	vadd.f32 v10, v4;
	[tilespmem:s11+$0x1D00] =	vst v1  }
0xad: {  	v1 =	vadd.f32 v11, v2;
	[tilespmem:s11+$0x1D10] =	vst v0  }
0xae: {  	[tilespmem:s11+$0x1D20] =	vst v3  }
0xaf: {  	s13 =	sadd.s32 @!p0 $0x2A0, s12;
	s14 =	simm.s32 @!p0 $0x32;
	s15 =	simm.s32 @!p0 $0x6E00;
	[tilespmem:s11+$0x1D30] =	vst v1  }
0xb0: {  	[tilespmem:s15], [sflag:$0x5] =	stream.indirect.gather @!p0 [hbm4b:s3+s14], $0x40, s13, s14, $0xb8;
	[tilespmem:$0xA000] =	vst v63  }
0xb1: {  	_ =	swait.ge [sflag:s30], $0xC80  }
0xb2: {  	[sflag:s30] =	ssyncset.done $0x0  }
0xb3: {  	s13 =	simm.s32 $0x0;
	[sflag:s30] =	ssyncadd.s32 $0xFFFFF380  }
0xb4: {  	v1 =	vld [tilespmem:s13+$0x7AC0]  }
0xb5: {  	v0 =	vld [tilespmem:s13+$0x7AD0]  }
0xb6: {  	v2 =	vld [tilespmem:s13+$0x7A80]  }
0xb7: {  	v5 =	vimm.f32 $0.0e+00;
	v3 =	vld [tilespmem:s13+$0x7A90]  }
0xb8: {  	v6 =	vimm.f32 $0.0e+00;
	v8 =	vimm.f32 $0.0e+00;
	v7 =	vimm.f32 $0.0e+00;
	s14 =	simm.s32 $0x200;
	v4 =	vld [tilespmem:s13+$0x7AA0]  }
.LBB2_13:
0xb9: {  	p1 =	sne.s32 s14, $0x3000;
	v9 =	vld [tilespmem:s13+$0x7AB0];
	v10 =	vmov v1  }
0xba: {  	v11 =	vld [tilespmem:s13+$0x7AE0];
	v12 =	vmov v0  }
0xbb: {  	v13 =	vld [tilespmem:s13+$0x7AF0];
	s13 =	sshra.s32 s14, $0x2  }
.Ltmp7:
0xbc: {  	v1 =	vld [tilespmem:s13+$0x7AC0];
	(pc) =	sbr.rel @p1 .LBB2_13-.Ltmp7, $4  }
0xbd: {  	v5 =	vadd.f32 v2, v5;
	v6 =	vadd.f32 v3, v6;
	v0 =	vld [tilespmem:s13+$0x7AD0]  }
0xbe: {  	v8 =	vadd.f32 v4, v8;
	v2 =	vld [tilespmem:s13+$0x7A80];
	v7 =	vadd.f32 v9, v7  }
0xbf: {  	v5 =	vadd.f32 v10, v5;
	v6 =	vadd.f32 v12, v6;
	v3 =	vld [tilespmem:s13+$0x7A90]  }
0xc0: {  	s14 =	sadd.s32 $0x200, s14;
	v8 =	vadd.f32 v11, v8;
	v4 =	vld [tilespmem:s13+$0x7AA0];
	v7 =	vadd.f32 v13, v7  }
0xc1: {  	v9 =	vld [tilespmem:s13+$0x7AB0]  }
0xc2: {  	v10 =	vld [tilespmem:s13+$0x7AE0]  }
0xc3: {  	v11 =	vld [tilespmem:s13+$0x7AF0];
	v2 =	vadd.f32 v2, v5  }
0xc4: {  	v3 =	vadd.f32 v3, v6  }
0xc5: {  	v4 =	vadd.f32 v4, v8;
	v1 =	vadd.f32 v1, v2  }
0xc6: {  	v2 =	vadd.f32 v9, v7;
	v0 =	vadd.f32 v0, v3  }
0xc7: {  	v3 =	vadd.f32 v10, v4;
	[tilespmem:s11+$0x1D40] =	vst v1  }
0xc8: {  	v1 =	vadd.f32 v11, v2;
	[tilespmem:s11+$0x1D50] =	vst v0  }
0xc9: {  	[tilespmem:s11+$0x1D60] =	vst v3  }
0xca: {  	s13 =	sadd.s32 @!p0 $0x2D8, s12;
	s14 =	simm.s32 @!p0 $0x32;
	s15 =	simm.s32 @!p0 $0x7A80;
	[tilespmem:s11+$0x1D70] =	vst v1  }
0xcb: {  	[tilespmem:s15], [sflag:$0x6] =	stream.indirect.gather @!p0 [hbm4b:s3+s14], $0x40, s13, s14, $0xb8;
	[tilespmem:$0xA000] =	vst v63  }
0xcc: {  	_ =	swait.ge [sflag:s31], $0xC80  }
0xcd: {  	[sflag:s31] =	ssyncset.done $0x0  }
0xce: {  	s13 =	simm.s32 $0x0;
	[sflag:s31] =	ssyncadd.s32 $0xFFFFF380  }
0xcf: {  	v1 =	vld [tilespmem:s13+$0x8740]  }
0xd0: {  	v0 =	vld [tilespmem:s13+$0x8750]  }
0xd1: {  	v2 =	vld [tilespmem:s13+$0x8700]  }
0xd2: {  	v5 =	vimm.f32 $0.0e+00;
	v3 =	vld [tilespmem:s13+$0x8710]  }
0xd3: {  	v6 =	vimm.f32 $0.0e+00;
	v8 =	vimm.f32 $0.0e+00;
	v7 =	vimm.f32 $0.0e+00;
	s14 =	simm.s32 $0x200;
	v4 =	vld [tilespmem:s13+$0x8720]  }
.LBB2_15:
0xd4: {  	p1 =	sne.s32 s14, $0x3000;
	v9 =	vld [tilespmem:s13+$0x8730];
	v10 =	vmov v1  }
0xd5: {  	v11 =	vld [tilespmem:s13+$0x8760];
	v12 =	vmov v0  }
0xd6: {  	v13 =	vld [tilespmem:s13+$0x8770];
	s13 =	sshra.s32 s14, $0x2  }
.Ltmp8:
0xd7: {  	v1 =	vld [tilespmem:s13+$0x8740];
	(pc) =	sbr.rel @p1 .LBB2_15-.Ltmp8, $4  }
0xd8: {  	v5 =	vadd.f32 v2, v5;
	v6 =	vadd.f32 v3, v6;
	v0 =	vld [tilespmem:s13+$0x8750]  }
0xd9: {  	v8 =	vadd.f32 v4, v8;
	v2 =	vld [tilespmem:s13+$0x8700];
	v7 =	vadd.f32 v9, v7  }
0xda: {  	v5 =	vadd.f32 v10, v5;
	v6 =	vadd.f32 v12, v6;
	v3 =	vld [tilespmem:s13+$0x8710]  }
0xdb: {  	s14 =	sadd.s32 $0x200, s14;
	v8 =	vadd.f32 v11, v8;
	v4 =	vld [tilespmem:s13+$0x8720];
	v7 =	vadd.f32 v13, v7  }
0xdc: {  	v9 =	vld [tilespmem:s13+$0x8730]  }
0xdd: {  	v10 =	vld [tilespmem:s13+$0x8760]  }
0xde: {  	v11 =	vld [tilespmem:s13+$0x8770];
	v2 =	vadd.f32 v2, v5  }
0xdf: {  	v3 =	vadd.f32 v3, v6  }
0xe0: {  	v4 =	vadd.f32 v4, v8;
	v1 =	vadd.f32 v1, v2  }
0xe1: {  	v2 =	vadd.f32 v9, v7;
	v0 =	vadd.f32 v0, v3  }
0xe2: {  	v3 =	vadd.f32 v10, v4;
	[tilespmem:s11+$0x1D80] =	vst v1  }
0xe3: {  	v1 =	vadd.f32 v11, v2;
	[tilespmem:s11+$0x1D90] =	vst v0  }
0xe4: {  	[tilespmem:s11+$0x1DA0] =	vst v3  }
0xe5: {  	s12 =	sadd.s32 @!p0 $0x310, s12;
	s13 =	simm.s32 @!p0 $0x32;
	s14 =	simm.s32 @!p0 $0x8700;
	[tilespmem:s11+$0x1DB0] =	vst v1  }
0xe6: {  	[tilespmem:s14], [sflag:$0x7] =	stream.indirect.gather @!p0 [hbm4b:s3+s13], $0x40, s12, s13, $0xb8;
	[tilespmem:$0xA000] =	vst v63  }
0xe7: {  	_ =	swait.ge [sflag:s1], $0xC80  }
0xe8: {  	[sflag:s1] =	ssyncset.done $0x0  }
0xe9: {  	s12 =	simm.s32 $0x0;
	[sflag:s1] =	ssyncadd.s32 $0xFFFFF380  }
0xea: {  	v1 =	vld [tilespmem:s12+$0x93C0]  }
0xeb: {  	v0 =	vld [tilespmem:s12+$0x93D0]  }
0xec: {  	v2 =	vld [tilespmem:s12+$0x9380]  }
0xed: {  	v5 =	vimm.f32 $0.0e+00;
	v3 =	vld [tilespmem:s12+$0x9390]  }
0xee: {  	v6 =	vimm.f32 $0.0e+00;
	v8 =	vimm.f32 $0.0e+00;
	v7 =	vimm.f32 $0.0e+00;
	s13 =	simm.s32 $0x200;
	v4 =	vld [tilespmem:s12+$0x93A0]  }
.LBB2_17:
0xef: {  	p1 =	sne.s32 s13, $0x3000;
	v9 =	vld [tilespmem:s12+$0x93B0];
	v10 =	vmov v1  }
0xf0: {  	v11 =	vld [tilespmem:s12+$0x93E0];
	v12 =	vmov v0  }
0xf1: {  	v13 =	vld [tilespmem:s12+$0x93F0];
	s12 =	sshra.s32 s13, $0x2  }
.Ltmp9:
0xf2: {  	v1 =	vld [tilespmem:s12+$0x93C0];
	(pc) =	sbr.rel @p1 .LBB2_17-.Ltmp9, $4  }
0xf3: {  	v5 =	vadd.f32 v2, v5;
	v6 =	vadd.f32 v3, v6;
	v0 =	vld [tilespmem:s12+$0x93D0]  }
0xf4: {  	v8 =	vadd.f32 v4, v8;
	v2 =	vld [tilespmem:s12+$0x9380];
	v7 =	vadd.f32 v9, v7  }
0xf5: {  	v5 =	vadd.f32 v10, v5;
	v6 =	vadd.f32 v12, v6;
	v3 =	vld [tilespmem:s12+$0x9390]  }
0xf6: {  	s13 =	sadd.s32 $0x200, s13;
	v8 =	vadd.f32 v11, v8;
	v4 =	vld [tilespmem:s12+$0x93A0];
	v7 =	vadd.f32 v13, v7  }
0xf7: {  	v9 =	vld [tilespmem:s12+$0x93B0]  }
0xf8: {  	v10 =	vld [tilespmem:s12+$0x93E0]  }
0xf9: {  	v11 =	vld [tilespmem:s12+$0x93F0];
	v2 =	vadd.f32 v2, v5  }
0xfa: {  	v3 =	vadd.f32 v3, v6  }
0xfb: {  	v4 =	vadd.f32 v4, v8;
	v1 =	vadd.f32 v1, v2  }
.Ltmp10:
0xfc: {  	v61 =	vadd.f32 v9, v7;
	v0 =	vadd.f32 v0, v3;
	(pc) =	sbr.rel @p0 .LBB2_20-.Ltmp10, $4  }
0xfd: {  	v62 =	vadd.f32 v10, v4;
	[tilespmem:s11+$0x1DC0] =	vst v1  }
0xfe: {  	v63 =	vadd.f32 v11, v61;
	[tilespmem:s11+$0x1DD0] =	vst v0  }
0xff: {  	[tilespmem:s11+$0x1DE0] =	vst v62  }
0x100: {  	[tilespmem:s11+$0x1DF0] =	vst v63  }
0x101: {  	s11 =	smul.u32 $0x700, s10  }
.Ltmp11:
0x102: {  	_ = 	snop;
	(pc) =	sbr.rel .LBB2_2-.Ltmp11, $4  }
0x103: {  	_ = 	snop  }
0x104: {  	s11 =	sshra.s32 s11, $0x2  }
0x105: {  	s10 =	sadd.s32 $0x1, s10;
	s11 =	sadd.s32 $0x348, s11  }
0x106: {  	[tilespmem:s23], [sflag:$0x8] =	stream.indirect.gather [hbm4b:s3+s8], $0x40, s11, s8, $0xb8;
	[tilespmem:$0xA000] =	vst v63  }
.LBB2_21:
0x107: {  	_ =	sfence.sel $0x180000  }
0x108: {  	[bflag:$0x0] =	sbarrier.arrive $0xFFFF  }
0x109: {  	_ =	strace $0x90000047  }
0x10a: {  	s0 =	stileid.u32;
	[bflag:$0x2] =	sbarrier.arrive $0xFFFF  }
0x10b: {  	p0 =	sne.s32 s0, $0x0;
	s0 =	rddreg [dreg:$0x2]  }
0x10c: {  	s0 =	sadd.s32 @!p0 $0x100000, s0  }
0x10d: {  	[sflag:s0] =	ssyncadd.tile.s32 @!p0 $0x1;
	_ =	shalt  }
.Lfunc_end2:
_tile_overlayer_lowered:
.L_overlay_start_2:
0x10e: {  	(tag) =	ssettag $0x2  }
0x10f: {  	s0 =	rddreg [dreg:$0x0];
	s2 =	stileid.u32  }
0x110: {  	s1 =	rddreg [dreg:$0x1];
	p0 =	sne.s32 s2, $0x0  }
0x111: {  	s3 =	rddreg [dreg:$0x2];
	[bflag:$0x3] =	sbarrier.arrive $0xFFFF;
	s2 =	simm.s32 @!p0 $0x1C09  }
0x112: {  	[timem:s3], [sflag:s2] =	dma.local @!p0 [hbm:s0], s1  }
0x113: {  	s0 =	simm.s32 @!p0 $0x9  }
0x114: {  	_ =	swait.ge @!p0 [sflag:s0], s1  }
0x115: {  	s1 =	ssub.s32 @!p0 $0x0, s1;
	[sflag:s0] =	ssyncset.done @!p0 $0x0  }
0x116: {  	[sflag:s0] =	ssyncadd.s32 @!p0 s1  }
0x117: {  	[bflag:$0x3] =	sbarrier.arrive $0xFFFF  }
0x118: {  	_ =	shalt  }

</sc_bundles>
